<compile_context>
chip_gen: v7x
topology: tpu7x:2x2x1
jax: 0.10.2.dev20260603
libtpu: 0.0.44.dev20260713+nightly
codegen_flags: <defaults>
</compile_context>

<pallas_src>
import jax
import jax.numpy as jnp
from jax import lax
from jax.experimental import pallas as pl
from jax.experimental.pallas import tpu as pltpu
from jax.experimental.pallas import tpu_sc as plsc

_N = 100000
_D = 128
_C = 64

_B = 160
_NBLK = _N // _B
_NW = 32
_NGRP = _B // 16
_NLOOPS = -(-_NBLK // _NW)


def _argmax16(logits_buf, g):
    rows = g * 16 + lax.iota(jnp.int32, 16)
    ms = [jnp.full((16,), -jnp.inf, jnp.float32) for _ in range(4)]
    avs = [jnp.zeros((16,), jnp.int32) for _ in range(4)]
    for c in range(16):
        for k in range(4):
            cc = k * 16 + c
            v = plsc.load_gather(
                logits_buf, [rows, jnp.full((16,), cc, jnp.int32)]
            )
            upd = v > ms[k]
            ms[k] = jnp.where(upd, v, ms[k])
            avs[k] = jnp.where(upd, cc, avs[k])
    m, amax = ms[0], avs[0]
    for k in range(1, 4):
        upd = ms[k] > m
        m = jnp.where(upd, ms[k], m)
        amax = jnp.where(upd, avs[k], amax)
    return amax


def _segsum_body(emb_hbm, logits_hbm, zeros_d_hbm,
                 sums_out, counts_out,
                 logits_buf, emb_a, emb_b, counts_buf, sums_acc,
                 sem_a, sem_b, sem_s):
    cid = lax.axis_index("c")
    sid = lax.axis_index("s")
    wid = sid * 2 + cid

    pltpu.sync_copy(zeros_d_hbm, sums_acc.at[sid])
    for j in range(_C // 16):
        counts_buf[pl.ds(j * 16, 16)] = jnp.zeros((16,), jnp.float32)

    my_sums = sums_acc.at[sid]

    def emb_cp(t, buf, sem):
        base = jnp.minimum(t * _NW + wid, _NBLK - 1) * _B
        return pltpu.make_async_copy(emb_hbm.at[pl.ds(base, _B), :], buf, sem)

    @pl.when(wid < _NBLK)
    def _():
        emb_cp(0, emb_a, sem_a).start()

    def process(t, cur, cur_sem, nxt, nxt_sem):
        b = t * _NW + wid

        @pl.when(b < _NBLK)
        def _():
            base = b * _B
            pltpu.sync_copy(logits_hbm.at[pl.ds(base, _B), :], logits_buf)
            emb_cp(t, cur, cur_sem).wait()

            @pl.when((t + 1) * _NW + wid < _NBLK)
            def _():
                emb_cp(t + 1, nxt, nxt_sem).start()

            def grp_body(g, carry):
                amax = _argmax16(logits_buf, g)
                pltpu.make_async_copy(
                    cur.at[pl.ds(g * 16, 16), :], my_sums.at[amax], sem_s
                ).start(add=True)
                plsc.addupdate_scatter(
                    counts_buf, [amax], jnp.full((16,), 1.0, jnp.float32)
                )
                return carry

            lax.fori_loop(0, _NGRP, grp_body, 0, unroll=False)

            zid = jnp.zeros((16,), jnp.int32)
            for _g in range(_NGRP):
                pltpu.make_async_copy(
                    cur.at[pl.ds(0, 16), :], my_sums.at[zid], sem_s
                ).wait()

    def pair_body(u, carry):
        process(2 * u, emb_a, sem_a, emb_b, sem_b)
        process(2 * u + 1, emb_b, sem_b, emb_a, sem_a)
        return carry

    lax.fori_loop(0, _NLOOPS // 2, pair_body, 0, unroll=False)

    pltpu.sync_copy(sums_acc.at[sid], sums_out.at[wid])
    pltpu.sync_copy(counts_buf, counts_out.at[wid])


def _segsum_call(embedding, logits):
    mesh = plsc.VectorSubcoreMesh(
        core_axis_name="c", subcore_axis_name="s", num_cores=2, num_subcores=16
    )
    f = pl.kernel(
        _segsum_body,
        out_type=[
            jax.ShapeDtypeStruct((_NW, _C, _D), jnp.float32),
            jax.ShapeDtypeStruct((_NW, _C), jnp.float32),
        ],
        mesh=mesh,
        compiler_params=pltpu.CompilerParams(needs_layout_passes=False),
        scratch_types=[
            pltpu.VMEM((_B, _C), jnp.float32),
            pltpu.VMEM((_B, _D), jnp.float32),
            pltpu.VMEM((_B, _D), jnp.float32),
            pltpu.VMEM((_C,), jnp.float32),
            pltpu.VMEM_SHARED((16, _C, _D), jnp.float32),
            pltpu.SemaphoreType.DMA,
            pltpu.SemaphoreType.DMA,
            pltpu.SemaphoreType.DMA,
        ],
    )
    zeros_d = jnp.zeros((_C, _D), jnp.float32)
    return f(embedding, logits, zeros_d)


def _finalize_body(sums_ref, counts_ref, centers_ref, out_ref):
    sums = jnp.sum(sums_ref[...], axis=0)
    counts = jnp.sum(counts_ref[...], axis=0)
    centroids = sums / jnp.maximum(counts, 1.0)[:, None]
    delta = centers_ref[...] - centroids
    dist = jnp.sqrt(jnp.sum(delta * delta, axis=-1))
    out_ref[...] = jnp.where(counts > 0, dist, 0.0)


def _finalize_call(sums_partial, counts_partial, centers):
    return pl.pallas_call(
        _finalize_body,
        out_shape=jax.ShapeDtypeStruct((_C,), jnp.float32),
    )(sums_partial, counts_partial, centers)


def kernel(embedding, centers, logits):
    sums_partial, counts_partial = _segsum_call(embedding, logits)
    return _finalize_call(sums_partial, counts_partial, centers)

# --- scband reference (transcript-rebuilt; emitter-appended) ---
"""Pipeline reference for scband-l2-cluster-centroid-90924457656744 (READ-ONLY COPY).

The authoritative reference and input builder live on the scoring server;
editing this copy changes nothing except your own understanding.
"""

import jax, jax.numpy as jnp
import numpy as np

N = 100000
D = 128
C = 64


def setup_inputs(seed: int = 0) -> dict:
    key = jax.random.key(seed)
    k1, k2, k3 = jax.random.split(key, 3)
    embedding = jax.random.normal(k1, (N, D), dtype=jnp.float32)
    centers = jax.random.normal(k2, (C, D), dtype=jnp.float32)
    logits = jax.random.normal(k3, (N, C), dtype=jnp.float32)
    return {"embedding": embedding, "centers": centers, "logits": logits}


def reference(embedding, centers, logits):
    num_classes = logits.shape[-1]
    cluster_assignment = jnp.argmax(logits, axis=-1)
    # per-class sum and count via segment reduce (SparseCore-friendly)
    sums = jax.ops.segment_sum(embedding, cluster_assignment, num_segments=num_classes)
    counts = jax.ops.segment_sum(jnp.ones((embedding.shape[0],), dtype=embedding.dtype),
                                 cluster_assignment, num_segments=num_classes)
    safe_counts = jnp.maximum(counts, 1.0)
    centroids = sums / safe_counts[:, None]
    delta = centers - centroids
    dist = jnp.sqrt(jnp.sum(delta * delta, axis=-1))
    # clusters with no members keep distance 0 (matches torch loop skipping them)
    cluster_dist = jnp.where(counts > 0, dist, 0.0)
    return cluster_dist

if __name__ == "__main__":
    import jax
    _d = setup_inputs()
    print(jax.jit(kernel)(*tuple(_d.values())))

</pallas_src>

<mosaic_0001>
#map = affine_map<(d0, d1) -> (0, 0)>
#map1 = affine_map<(d0, d1) -> (0, 0, 0)>
module attributes {stable_mosaic.version = 14 : i64} {
  func.func @_segsum_body(%arg0: i32, %arg1: i32, %arg2: memref<100000x128xf32, #tpu.memory_space<hbm>>, %arg3: memref<100000x64xf32, #tpu.memory_space<hbm>>, %arg4: memref<64x128xf32, #tpu.memory_space<hbm>>, %arg5: memref<32x64x128xf32, #tpu.memory_space<hbm>>, %arg6: memref<32x64xf32, #tpu.memory_space<hbm>>, %arg7: memref<160x64xf32, #tpu.memory_space<vmem>>, %arg8: memref<160x128xf32, #tpu.memory_space<vmem>>, %arg9: memref<160x128xf32, #tpu.memory_space<vmem>>, %arg10: memref<64xf32, #tpu.memory_space<vmem>>, %arg11: memref<16x64x128xf32, #tpu.memory_space<vmem_shared>>, %arg12: memref<!tpu.dma_semaphore, #tpu.memory_space<semaphore_mem>>, %arg13: memref<!tpu.dma_semaphore, #tpu.memory_space<semaphore_mem>>, %arg14: memref<!tpu.dma_semaphore, #tpu.memory_space<semaphore_mem>>) attributes {dimension_semantics = [#tpu.dimension_semantics<core_parallel>, #tpu.dimension_semantics<subcore_parallel>], iteration_bounds = array<i64: 2, 16>, scalar_prefetch = 0 : i64, scratch_operands = 8 : i64, tpu.core_type = #tpu.core_type<sc_vector_subcore>, window_params = [{transform_indices = #map}, {transform_indices = #map}, {transform_indices = #map}, {transform_indices = #map1}, {transform_indices = #map}]} {
    %mul3A = arith.constant 2 : i32
    %mul3A_0 = arith.muli %arg1, %mul3A : i32
    %add3A = arith.addi %mul3A_0, %arg0 : i32
    "tpu.region"() ({
      %run_scoped3A = tpu.sem_alloc : memref<!tpu.dma_semaphore, #tpu.memory_space<semaphore_mem>>
      %dma_start3A = arith.constant 0 : i32
      %dma_start3A_22 = arith.constant 0 : i32
      %dma_start3A_23 = tpu.memref_slice %arg11[%arg1, %dma_start3A, %dma_start3A_22] : memref<16x64x128xf32, #tpu.memory_space<vmem_shared>> -> memref<1x64x128xf32, #tpu.memory_space<vmem_shared>>
      %dma_start3A_24 = tpu.memref_squeeze %dma_start3A_23 : memref<1x64x128xf32, #tpu.memory_space<vmem_shared>> -> memref<64x128xf32, #tpu.memory_space<vmem_shared>>
      tpu.enqueue_dma source(%arg4 : memref<64x128xf32, #tpu.memory_space<hbm>>) target(%dma_start3A_24 : memref<64x128xf32, #tpu.memory_space<vmem_shared>>) target_semaphore(%run_scoped3A : memref<!tpu.dma_semaphore, #tpu.memory_space<semaphore_mem>>)
      %dma_wait3A = arith.constant 0 : i32
      %dma_wait3A_25 = arith.constant 0 : i32
      %dma_wait3A_26 = tpu.memref_slice %arg11[%arg1, %dma_wait3A, %dma_wait3A_25] : memref<16x64x128xf32, #tpu.memory_space<vmem_shared>> -> memref<1x64x128xf32, #tpu.memory_space<vmem_shared>>
      %dma_wait3A_27 = tpu.memref_squeeze %dma_wait3A_26 : memref<1x64x128xf32, #tpu.memory_space<vmem_shared>> -> memref<64x128xf32, #tpu.memory_space<vmem_shared>>
      tpu.wait_dma2 semaphore(%run_scoped3A : memref<!tpu.dma_semaphore, #tpu.memory_space<semaphore_mem>>) src(%arg4 : memref<64x128xf32, #tpu.memory_space<hbm>>) dst(%dma_wait3A_27 : memref<64x128xf32, #tpu.memory_space<vmem_shared>>)
      tpu.yield
    }) : () -> ()
    %broadcast_in_dim3A = arith.constant 0.000000e+00 : f32
    %broadcast_in_dim3A_1 = vector.broadcast %broadcast_in_dim3A : f32 to vector<16xf32>
    %swap3A = arith.constant 0 : index
    %swap3A_2 = tpu.vector_load %arg10[%swap3A] {strides = array<i32>} : memref<64xf32, #tpu.memory_space<vmem>>, vector<16xf32>,
    tpu.vector_store %arg10[%swap3A], %broadcast_in_dim3A_1 {strides = array<i32>} : memref<64xf32, #tpu.memory_space<vmem>>, vector<16xf32>,
    %broadcast_in_dim3A_3 = arith.constant 0.000000e+00 : f32
    %broadcast_in_dim3A_4 = vector.broadcast %broadcast_in_dim3A_3 : f32 to vector<16xf32>
    %swap3A_5 = arith.constant 16 : index
    %swap3A_6 = tpu.vector_load %arg10[%swap3A_5] {strides = array<i32>} : memref<64xf32, #tpu.memory_space<vmem>>, vector<16xf32>,
    tpu.vector_store %arg10[%swap3A_5], %broadcast_in_dim3A_4 {strides = array<i32>} : memref<64xf32, #tpu.memory_space<vmem>>, vector<16xf32>,
    %broadcast_in_dim3A_7 = arith.constant 0.000000e+00 : f32
    %broadcast_in_dim3A_8 = vector.broadcast %broadcast_in_dim3A_7 : f32 to vector<16xf32>
    %swap3A_9 = arith.constant 32 : index
    %swap3A_10 = tpu.vector_load %arg10[%swap3A_9] {strides = array<i32>} : memref<64xf32, #tpu.memory_space<vmem>>, vector<16xf32>,
    tpu.vector_store %arg10[%swap3A_9], %broadcast_in_dim3A_8 {strides = array<i32>} : memref<64xf32, #tpu.memory_space<vmem>>, vector<16xf32>,
    %broadcast_in_dim3A_11 = arith.constant 0.000000e+00 : f32
    %broadcast_in_dim3A_12 = vector.broadcast %broadcast_in_dim3A_11 : f32 to vector<16xf32>
    %swap3A_13 = arith.constant 48 : index
    %swap3A_14 = tpu.vector_load %arg10[%swap3A_13] {strides = array<i32>} : memref<64xf32, #tpu.memory_space<vmem>>, vector<16xf32>,
    tpu.vector_store %arg10[%swap3A_13], %broadcast_in_dim3A_12 {strides = array<i32>} : memref<64xf32, #tpu.memory_space<vmem>>, vector<16xf32>,
    %lt3A = arith.constant 625 : i32
    %lt3A_15 = arith.cmpi slt, %add3A, %lt3A : i32
    %convert_element_type3A = arith.extui %lt3A_15 : i1 to i32
    %cond3A = arith.constant 0 : i32
    %cond3A_16 = arith.cmpi ne, %convert_element_type3A, %cond3A : i32
    scf.if %cond3A_16 {
      %add3A_22 = arith.constant 0 : i32
      %add3A_23 = arith.addi %add3A_22, %add3A : i32
      %min3A = arith.constant 624 : i32
      %min3A_24 = arith.minsi %add3A_23, %min3A : i32
      %mul3A_25 = arith.constant 160 : i32
      %mul3A_26 = arith.muli %min3A_24, %mul3A_25 : i32
      %dma_start3A = arith.constant 0 : i32
      %dma_start3A_27 = tpu.memref_slice %arg2[%mul3A_26, %dma_start3A] : memref<100000x128xf32, #tpu.memory_space<hbm>> -> memref<160x128xf32, #tpu.memory_space<hbm>>
      %dma_start3A_28 = arith.constant 0 : i32
      %dma_start3A_29 = tpu.memref_slice %arg2[%mul3A_26, %dma_start3A_28] : memref<100000x128xf32, #tpu.memory_space<hbm>> -> memref<160x128xf32, #tpu.memory_space<hbm>>
      tpu.enqueue_dma source(%dma_start3A_29 : memref<160x128xf32, #tpu.memory_space<hbm>>) target(%arg8 : memref<160x128xf32, #tpu.memory_space<vmem>>) target_semaphore(%arg12 : memref<!tpu.dma_semaphore, #tpu.memory_space<semaphore_mem>>)
    } else {
    }
    %scan3A = arith.constant 0 : i32
    %scan3A_17 = arith.constant 0 : i32
    %scan3A_18 = arith.constant 10 : i32
    %scan3A_19 = arith.addi %scan3A_17, %scan3A_18 : i32
    %scan3A_20 = arith.constant 1 : i32
    scf.for %scan3A_22 = %scan3A_17 to %scan3A_19 step %scan3A_20  : i32 {
      %mul3A_23 = arith.constant 2 : i32
      %mul3A_24 = arith.muli %mul3A_23, %scan3A_22 : i32
      %mul3A_25 = arith.constant 32 : i32
      %mul3A_26 = arith.muli %mul3A_24, %mul3A_25 : i32
      %add3A_27 = arith.addi %mul3A_26, %add3A : i32
      %lt3A_28 = arith.constant 625 : i32
      %lt3A_29 = arith.cmpi slt, %add3A_27, %lt3A_28 : i32
      %convert_element_type3A_30 = arith.extui %lt3A_29 : i1 to i32
      %cond3A_31 = arith.constant 0 : i32
      %cond3A_32 = arith.cmpi ne, %convert_element_type3A_30, %cond3A_31 : i32
      scf.if %cond3A_32 {
        %mul3A_45 = arith.constant 160 : i32
        %mul3A_46 = arith.muli %add3A_27, %mul3A_45 : i32
        "tpu.region"() ({
          %run_scoped3A = tpu.sem_alloc : memref<!tpu.dma_semaphore, #tpu.memory_space<semaphore_mem>>
          %dma_start3A = arith.constant 0 : i32
          %dma_start3A_174 = tpu.memref_slice %arg3[%mul3A_46, %dma_start3A] : memref<100000x64xf32, #tpu.memory_space<hbm>> -> memref<160x64xf32, #tpu.memory_space<hbm>>
          %dma_start3A_175 = arith.constant 0 : i32
          %dma_start3A_176 = tpu.memref_slice %arg3[%mul3A_46, %dma_start3A_175] : memref<100000x64xf32, #tpu.memory_space<hbm>> -> memref<160x64xf32, #tpu.memory_space<hbm>>
          tpu.enqueue_dma source(%dma_start3A_176 : memref<160x64xf32, #tpu.memory_space<hbm>>) target(%arg7 : memref<160x64xf32, #tpu.memory_space<vmem>>) target_semaphore(%run_scoped3A : memref<!tpu.dma_semaphore, #tpu.memory_space<semaphore_mem>>)
          %dma_wait3A_177 = arith.constant 0 : i32
          %dma_wait3A_178 = tpu.memref_slice %arg3[%mul3A_46, %dma_wait3A_177] : memref<100000x64xf32, #tpu.memory_space<hbm>> -> memref<160x64xf32, #tpu.memory_space<hbm>>
          %dma_wait3A_179 = arith.constant 0 : i32
          %dma_wait3A_180 = tpu.memref_slice %arg3[%mul3A_46, %dma_wait3A_179] : memref<100000x64xf32, #tpu.memory_space<hbm>> -> memref<160x64xf32, #tpu.memory_space<hbm>>
          tpu.wait_dma2 semaphore(%run_scoped3A : memref<!tpu.dma_semaphore, #tpu.memory_space<semaphore_mem>>) src(%dma_wait3A_180 : memref<160x64xf32, #tpu.memory_space<hbm>>) dst(%arg7 : memref<160x64xf32, #tpu.memory_space<vmem>>)
          tpu.yield
        }) : () -> ()
        %mul3A_47 = arith.constant 32 : i32
        %mul3A_48 = arith.muli %mul3A_24, %mul3A_47 : i32
        %add3A_49 = arith.addi %mul3A_48, %add3A : i32
        %min3A = arith.constant 624 : i32
        %min3A_50 = arith.minsi %add3A_49, %min3A : i32
        %mul3A_51 = arith.constant 160 : i32
        %mul3A_52 = arith.muli %min3A_50, %mul3A_51 : i32
        %dma_wait3A = arith.constant 0 : i32
        %dma_wait3A_53 = tpu.memref_slice %arg2[%mul3A_52, %dma_wait3A] : memref<100000x128xf32, #tpu.memory_space<hbm>> -> memref<160x128xf32, #tpu.memory_space<hbm>>
        %dma_wait3A_54 = arith.constant 0 : i32
        %dma_wait3A_55 = tpu.memref_slice %arg2[%mul3A_52, %dma_wait3A_54] : memref<100000x128xf32, #tpu.memory_space<hbm>> -> memref<160x128xf32, #tpu.memory_space<hbm>>
        tpu.wait_dma2 semaphore(%arg12 : memref<!tpu.dma_semaphore, #tpu.memory_space<semaphore_mem>>) src(%dma_wait3A_55 : memref<160x128xf32, #tpu.memory_space<hbm>>) dst(%arg8 : memref<160x128xf32, #tpu.memory_space<vmem>>)
        %add3A_56 = arith.constant 1 : i32
        %add3A_57 = arith.addi %mul3A_24, %add3A_56 : i32
        %mul3A_58 = arith.constant 32 : i32
        %mul3A_59 = arith.muli %add3A_57, %mul3A_58 : i32
        %add3A_60 = arith.addi %mul3A_59, %add3A : i32
        %lt3A_61 = arith.constant 625 : i32
        %lt3A_62 = arith.cmpi slt, %add3A_60, %lt3A_61 : i32
        %convert_element_type3A_63 = arith.extui %lt3A_62 : i1 to i32
        %cond3A_64 = arith.constant 0 : i32
        %cond3A_65 = arith.cmpi ne, %convert_element_type3A_63, %cond3A_64 : i32
        scf.if %cond3A_65 {
          %add3A_174 = arith.constant 1 : i32
          %add3A_175 = arith.addi %mul3A_24, %add3A_174 : i32
          %mul3A_176 = arith.constant 32 : i32
          %mul3A_177 = arith.muli %add3A_175, %mul3A_176 : i32
          %add3A_178 = arith.addi %mul3A_177, %add3A : i32
          %min3A_179 = arith.constant 624 : i32
          %min3A_180 = arith.minsi %add3A_178, %min3A_179 : i32
          %mul3A_181 = arith.constant 160 : i32
          %mul3A_182 = arith.muli %min3A_180, %mul3A_181 : i32
          %dma_start3A = arith.constant 0 : i32
          %dma_start3A_183 = tpu.memref_slice %arg2[%mul3A_182, %dma_start3A] : memref<100000x128xf32, #tpu.memory_space<hbm>> -> memref<160x128xf32, #tpu.memory_space<hbm>>
          %dma_start3A_184 = arith.constant 0 : i32
          %dma_start3A_185 = tpu.memref_slice %arg2[%mul3A_182, %dma_start3A_184] : memref<100000x128xf32, #tpu.memory_space<hbm>> -> memref<160x128xf32, #tpu.memory_space<hbm>>
          tpu.enqueue_dma source(%dma_start3A_185 : memref<160x128xf32, #tpu.memory_space<hbm>>) target(%arg9 : memref<160x128xf32, #tpu.memory_space<vmem>>) target_semaphore(%arg13 : memref<!tpu.dma_semaphore, #tpu.memory_space<semaphore_mem>>)
        } else {
        }
        %scan3A_66 = arith.constant 0 : i32
        %scan3A_67 = arith.constant 0 : i32
        %scan3A_68 = arith.constant 10 : i32
        %scan3A_69 = arith.addi %scan3A_67, %scan3A_68 : i32
        %scan3A_70 = arith.constant 1 : i32
        scf.for %scan3A_174 = %scan3A_67 to %scan3A_69 step %scan3A_70  : i32 {
          %mul3A_175 = arith.constant 16 : i32
          %mul3A_176 = arith.muli %scan3A_174, %mul3A_175 : i32
          %iota3A = tpu.iota {dimensions = array<i32: 0>} : vector<16xi32>
          %add3A_177 = vector.broadcast %mul3A_176 : i32 to vector<16xi32>
          %add3A_178 = arith.addi %add3A_177, %iota3A : vector<16xi32>
          %broadcast_in_dim3A_179 = arith.constant 0xFF800000 : f32
          %broadcast_in_dim3A_180 = vector.broadcast %broadcast_in_dim3A_179 : f32 to vector<16xf32>
          %broadcast_in_dim3A_181 = arith.constant 0xFF800000 : f32
          %broadcast_in_dim3A_182 = vector.broadcast %broadcast_in_dim3A_181 : f32 to vector<16xf32>
          %broadcast_in_dim3A_183 = arith.constant 0xFF800000 : f32
          %broadcast_in_dim3A_184 = vector.broadcast %broadcast_in_dim3A_183 : f32 to vector<16xf32>
          %broadcast_in_dim3A_185 = arith.constant 0xFF800000 : f32
          %broadcast_in_dim3A_186 = vector.broadcast %broadcast_in_dim3A_185 : f32 to vector<16xf32>
          %broadcast_in_dim3A_187 = arith.constant 0 : i32
          %broadcast_in_dim3A_188 = vector.broadcast %broadcast_in_dim3A_187 : i32 to vector<16xi32>
          %broadcast_in_dim3A_189 = arith.constant 0 : i32
          %broadcast_in_dim3A_190 = vector.broadcast %broadcast_in_dim3A_189 : i32 to vector<16xi32>
          %broadcast_in_dim3A_191 = arith.constant 0 : i32
          %broadcast_in_dim3A_192 = vector.broadcast %broadcast_in_dim3A_191 : i32 to vector<16xi32>
          %broadcast_in_dim3A_193 = arith.constant 0 : i32
          %broadcast_in_dim3A_194 = vector.broadcast %broadcast_in_dim3A_193 : i32 to vector<16xi32>
          %broadcast_in_dim3A_195 = arith.constant 0 : i32
          %broadcast_in_dim3A_196 = vector.broadcast %broadcast_in_dim3A_195 : i32 to vector<16xi32>
          %gather3A = tpu.vector_load_idx %arg7[%add3A_178, %broadcast_in_dim3A_196] : memref<160x64xf32, #tpu.memory_space<vmem>>[vector<16xi32>, vector<16xi32>], vector<16xf32>,
          %gt3A = arith.cmpf ogt, %gather3A, %broadcast_in_dim3A_180 : vector<16xf32>
          %select_n3A = arith.select %gt3A, %gather3A, %broadcast_in_dim3A_180 : vector<16xi1>, vector<16xf32>
          %jit3A = arith.constant 0 : i32
          %broadcast_in_dim3A_197 = vector.broadcast %jit3A : i32 to vector<16xi32>
          %select_n3A_198 = arith.select %gt3A, %broadcast_in_dim3A_197, %broadcast_in_dim3A_188 : vector<16xi1>, vector<16xi32>
          %broadcast_in_dim3A_199 = arith.constant 16 : i32
          %broadcast_in_dim3A_200 = vector.broadcast %broadcast_in_dim3A_199 : i32 to vector<16xi32>
          %gather3A_201 = tpu.vector_load_idx %arg7[%add3A_178, %broadcast_in_dim3A_200] : memref<160x64xf32, #tpu.memory_space<vmem>>[vector<16xi32>, vector<16xi32>], vector<16xf32>,
          %gt3A_202 = arith.cmpf ogt, %gather3A_201, %broadcast_in_dim3A_182 : vector<16xf32>
          %select_n3A_203 = arith.select %gt3A_202, %gather3A_201, %broadcast_in_dim3A_182 : vector<16xi1>, vector<16xf32>
          %jit3A_204 = arith.constant 16 : i32
          %broadcast_in_dim3A_205 = vector.broadcast %jit3A_204 : i32 to vector<16xi32>
          %select_n3A_206 = arith.select %gt3A_202, %broadcast_in_dim3A_205, %broadcast_in_dim3A_190 : vector<16xi1>, vector<16xi32>
          %broadcast_in_dim3A_207 = arith.constant 32 : i32
          %broadcast_in_dim3A_208 = vector.broadcast %broadcast_in_dim3A_207 : i32 to vector<16xi32>
          %gather3A_209 = tpu.vector_load_idx %arg7[%add3A_178, %broadcast_in_dim3A_208] : memref<160x64xf32, #tpu.memory_space<vmem>>[vector<16xi32>, vector<16xi32>], vector<16xf32>,
          %gt3A_210 = arith.cmpf ogt, %gather3A_209, %broadcast_in_dim3A_184 : vector<16xf32>
          %select_n3A_211 = arith.select %gt3A_210, %gather3A_209, %broadcast_in_dim3A_184 : vector<16xi1>, vector<16xf32>
          %jit3A_212 = arith.constant 32 : i32
          %broadcast_in_dim3A_213 = vector.broadcast %jit3A_212 : i32 to vector<16xi32>
          %select_n3A_214 = arith.select %gt3A_210, %broadcast_in_dim3A_213, %broadcast_in_dim3A_192 : vector<16xi1>, vector<16xi32>
          %broadcast_in_dim3A_215 = arith.constant 48 : i32
          %broadcast_in_dim3A_216 = vector.broadcast %broadcast_in_dim3A_215 : i32 to vector<16xi32>
          %gather3A_217 = tpu.vector_load_idx %arg7[%add3A_178, %broadcast_in_dim3A_216] : memref<160x64xf32, #tpu.memory_space<vmem>>[vector<16xi32>, vector<16xi32>], vector<16xf32>,
          %gt3A_218 = arith.cmpf ogt, %gather3A_217, %broadcast_in_dim3A_186 : vector<16xf32>
          %select_n3A_219 = arith.select %gt3A_218, %gather3A_217, %broadcast_in_dim3A_186 : vector<16xi1>, vector<16xf32>
          %jit3A_220 = arith.constant 48 : i32
          %broadcast_in_dim3A_221 = vector.broadcast %jit3A_220 : i32 to vector<16xi32>
          %select_n3A_222 = arith.select %gt3A_218, %broadcast_in_dim3A_221, %broadcast_in_dim3A_194 : vector<16xi1>, vector<16xi32>
          %broadcast_in_dim3A_223 = arith.constant 1 : i32
          %broadcast_in_dim3A_224 = vector.broadcast %broadcast_in_dim3A_223 : i32 to vector<16xi32>
          %gather3A_225 = tpu.vector_load_idx %arg7[%add3A_178, %broadcast_in_dim3A_224] : memref<160x64xf32, #tpu.memory_space<vmem>>[vector<16xi32>, vector<16xi32>], vector<16xf32>,
          %gt3A_226 = arith.cmpf ogt, %gather3A_225, %select_n3A : vector<16xf32>
          %select_n3A_227 = arith.select %gt3A_226, %gather3A_225, %select_n3A : vector<16xi1>, vector<16xf32>
          %jit3A_228 = arith.constant 1 : i32
          %broadcast_in_dim3A_229 = vector.broadcast %jit3A_228 : i32 to vector<16xi32>
          %select_n3A_230 = arith.select %gt3A_226, %broadcast_in_dim3A_229, %select_n3A_198 : vector<16xi1>, vector<16xi32>
          %broadcast_in_dim3A_231 = arith.constant 17 : i32
          %broadcast_in_dim3A_232 = vector.broadcast %broadcast_in_dim3A_231 : i32 to vector<16xi32>
          %gather3A_233 = tpu.vector_load_idx %arg7[%add3A_178, %broadcast_in_dim3A_232] : memref<160x64xf32, #tpu.memory_space<vmem>>[vector<16xi32>, vector<16xi32>], vector<16xf32>,
          %gt3A_234 = arith.cmpf ogt, %gather3A_233, %select_n3A_203 : vector<16xf32>
          %select_n3A_235 = arith.select %gt3A_234, %gather3A_233, %select_n3A_203 : vector<16xi1>, vector<16xf32>
          %jit3A_236 = arith.constant 17 : i32
          %broadcast_in_dim3A_237 = vector.broadcast %jit3A_236 : i32 to vector<16xi32>
          %select_n3A_238 = arith.select %gt3A_234, %broadcast_in_dim3A_237, %select_n3A_206 : vector<16xi1>, vector<16xi32>
          %broadcast_in_dim3A_239 = arith.constant 33 : i32
          %broadcast_in_dim3A_240 = vector.broadcast %broadcast_in_dim3A_239 : i32 to vector<16xi32>
          %gather3A_241 = tpu.vector_load_idx %arg7[%add3A_178, %broadcast_in_dim3A_240] : memref<160x64xf32, #tpu.memory_space<vmem>>[vector<16xi32>, vector<16xi32>], vector<16xf32>,
          %gt3A_242 = arith.cmpf ogt, %gather3A_241, %select_n3A_211 : vector<16xf32>
          %select_n3A_243 = arith.select %gt3A_242, %gather3A_241, %select_n3A_211 : vector<16xi1>, vector<16xf32>
          %jit3A_244 = arith.constant 33 : i32
          %broadcast_in_dim3A_245 = vector.broadcast %jit3A_244 : i32 to vector<16xi32>
          %select_n3A_246 = arith.select %gt3A_242, %broadcast_in_dim3A_245, %select_n3A_214 : vector<16xi1>, vector<16xi32>
          %broadcast_in_dim3A_247 = arith.constant 49 : i32
          %broadcast_in_dim3A_248 = vector.broadcast %broadcast_in_dim3A_247 : i32 to vector<16xi32>
          %gather3A_249 = tpu.vector_load_idx %arg7[%add3A_178, %broadcast_in_dim3A_248] : memref<160x64xf32, #tpu.memory_space<vmem>>[vector<16xi32>, vector<16xi32>], vector<16xf32>,
          %gt3A_250 = arith.cmpf ogt, %gather3A_249, %select_n3A_219 : vector<16xf32>
          %select_n3A_251 = arith.select %gt3A_250, %gather3A_249, %select_n3A_219 : vector<16xi1>, vector<16xf32>
          %jit3A_252 = arith.constant 49 : i32
          %broadcast_in_dim3A_253 = vector.broadcast %jit3A_252 : i32 to vector<16xi32>
          %select_n3A_254 = arith.select %gt3A_250, %broadcast_in_dim3A_253, %select_n3A_222 : vector<16xi1>, vector<16xi32>
          %broadcast_in_dim3A_255 = arith.constant 2 : i32
          %broadcast_in_dim3A_256 = vector.broadcast %broadcast_in_dim3A_255 : i32 to vector<16xi32>
          %gather3A_257 = tpu.vector_load_idx %arg7[%add3A_178, %broadcast_in_dim3A_256] : memref<160x64xf32, #tpu.memory_space<vmem>>[vector<16xi32>, vector<16xi32>], vector<16xf32>,
          %gt3A_258 = arith.cmpf ogt, %gather3A_257, %select_n3A_227 : vector<16xf32>
          %select_n3A_259 = arith.select %gt3A_258, %gather3A_257, %select_n3A_227 : vector<16xi1>, vector<16xf32>
          %jit3A_260 = arith.constant 2 : i32
          %broadcast_in_dim3A_261 = vector.broadcast %jit3A_260 : i32 to vector<16xi32>
          %select_n3A_262 = arith.select %gt3A_258, %broadcast_in_dim3A_261, %select_n3A_230 : vector<16xi1>, vector<16xi32>
          %broadcast_in_dim3A_263 = arith.constant 18 : i32
          %broadcast_in_dim3A_264 = vector.broadcast %broadcast_in_dim3A_263 : i32 to vector<16xi32>
          %gather3A_265 = tpu.vector_load_idx %arg7[%add3A_178, %broadcast_in_dim3A_264] : memref<160x64xf32, #tpu.memory_space<vmem>>[vector<16xi32>, vector<16xi32>], vector<16xf32>,
          %gt3A_266 = arith.cmpf ogt, %gather3A_265, %select_n3A_235 : vector<16xf32>
          %select_n3A_267 = arith.select %gt3A_266, %gather3A_265, %select_n3A_235 : vector<16xi1>, vector<16xf32>
          %jit3A_268 = arith.constant 18 : i32
          %broadcast_in_dim3A_269 = vector.broadcast %jit3A_268 : i32 to vector<16xi32>
          %select_n3A_270 = arith.select %gt3A_266, %broadcast_in_dim3A_269, %select_n3A_238 : vector<16xi1>, vector<16xi32>
          %broadcast_in_dim3A_271 = arith.constant 34 : i32
          %broadcast_in_dim3A_272 = vector.broadcast %broadcast_in_dim3A_271 : i32 to vector<16xi32>
          %gather3A_273 = tpu.vector_load_idx %arg7[%add3A_178, %broadcast_in_dim3A_272] : memref<160x64xf32, #tpu.memory_space<vmem>>[vector<16xi32>, vector<16xi32>], vector<16xf32>,
          %gt3A_274 = arith.cmpf ogt, %gather3A_273, %select_n3A_243 : vector<16xf32>
          %select_n3A_275 = arith.select %gt3A_274, %gather3A_273, %select_n3A_243 : vector<16xi1>, vector<16xf32>
          %jit3A_276 = arith.constant 34 : i32
          %broadcast_in_dim3A_277 = vector.broadcast %jit3A_276 : i32 to vector<16xi32>
          %select_n3A_278 = arith.select %gt3A_274, %broadcast_in_dim3A_277, %select_n3A_246 : vector<16xi1>, vector<16xi32>
          %broadcast_in_dim3A_279 = arith.constant 50 : i32
          %broadcast_in_dim3A_280 = vector.broadcast %broadcast_in_dim3A_279 : i32 to vector<16xi32>
          %gather3A_281 = tpu.vector_load_idx %arg7[%add3A_178, %broadcast_in_dim3A_280] : memref<160x64xf32, #tpu.memory_space<vmem>>[vector<16xi32>, vector<16xi32>], vector<16xf32>,
          %gt3A_282 = arith.cmpf ogt, %gather3A_281, %select_n3A_251 : vector<16xf32>
          %select_n3A_283 = arith.select %gt3A_282, %gather3A_281, %select_n3A_251 : vector<16xi1>, vector<16xf32>
          %jit3A_284 = arith.constant 50 : i32
          %broadcast_in_dim3A_285 = vector.broadcast %jit3A_284 : i32 to vector<16xi32>
          %select_n3A_286 = arith.select %gt3A_282, %broadcast_in_dim3A_285, %select_n3A_254 : vector<16xi1>, vector<16xi32>
          %broadcast_in_dim3A_287 = arith.constant 3 : i32
          %broadcast_in_dim3A_288 = vector.broadcast %broadcast_in_dim3A_287 : i32 to vector<16xi32>
          %gather3A_289 = tpu.vector_load_idx %arg7[%add3A_178, %broadcast_in_dim3A_288] : memref<160x64xf32, #tpu.memory_space<vmem>>[vector<16xi32>, vector<16xi32>], vector<16xf32>,
          %gt3A_290 = arith.cmpf ogt, %gather3A_289, %select_n3A_259 : vector<16xf32>
          %select_n3A_291 = arith.select %gt3A_290, %gather3A_289, %select_n3A_259 : vector<16xi1>, vector<16xf32>
          %jit3A_292 = arith.constant 3 : i32
          %broadcast_in_dim3A_293 = vector.broadcast %jit3A_292 : i32 to vector<16xi32>
          %select_n3A_294 = arith.select %gt3A_290, %broadcast_in_dim3A_293, %select_n3A_262 : vector<16xi1>, vector<16xi32>
          %broadcast_in_dim3A_295 = arith.constant 19 : i32
          %broadcast_in_dim3A_296 = vector.broadcast %broadcast_in_dim3A_295 : i32 to vector<16xi32>
          %gather3A_297 = tpu.vector_load_idx %arg7[%add3A_178, %broadcast_in_dim3A_296] : memref<160x64xf32, #tpu.memory_space<vmem>>[vector<16xi32>, vector<16xi32>], vector<16xf32>,
          %gt3A_298 = arith.cmpf ogt, %gather3A_297, %select_n3A_267 : vector<16xf32>
          %select_n3A_299 = arith.select %gt3A_298, %gather3A_297, %select_n3A_267 : vector<16xi1>, vector<16xf32>
          %jit3A_300 = arith.constant 19 : i32
          %broadcast_in_dim3A_301 = vector.broadcast %jit3A_300 : i32 to vector<16xi32>
          %select_n3A_302 = arith.select %gt3A_298, %broadcast_in_dim3A_301, %select_n3A_270 : vector<16xi1>, vector<16xi32>
          %broadcast_in_dim3A_303 = arith.constant 35 : i32
          %broadcast_in_dim3A_304 = vector.broadcast %broadcast_in_dim3A_303 : i32 to vector<16xi32>
          %gather3A_305 = tpu.vector_load_idx %arg7[%add3A_178, %broadcast_in_dim3A_304] : memref<160x64xf32, #tpu.memory_space<vmem>>[vector<16xi32>, vector<16xi32>], vector<16xf32>,
          %gt3A_306 = arith.cmpf ogt, %gather3A_305, %select_n3A_275 : vector<16xf32>
          %select_n3A_307 = arith.select %gt3A_306, %gather3A_305, %select_n3A_275 : vector<16xi1>, vector<16xf32>
          %jit3A_308 = arith.constant 35 : i32
          %broadcast_in_dim3A_309 = vector.broadcast %jit3A_308 : i32 to vector<16xi32>
          %select_n3A_310 = arith.select %gt3A_306, %broadcast_in_dim3A_309, %select_n3A_278 : vector<16xi1>, vector<16xi32>
          %broadcast_in_dim3A_311 = arith.constant 51 : i32
          %broadcast_in_dim3A_312 = vector.broadcast %broadcast_in_dim3A_311 : i32 to vector<16xi32>
          %gather3A_313 = tpu.vector_load_idx %arg7[%add3A_178, %broadcast_in_dim3A_312] : memref<160x64xf32, #tpu.memory_space<vmem>>[vector<16xi32>, vector<16xi32>], vector<16xf32>,
          %gt3A_314 = arith.cmpf ogt, %gather3A_313, %select_n3A_283 : vector<16xf32>
          %select_n3A_315 = arith.select %gt3A_314, %gather3A_313, %select_n3A_283 : vector<16xi1>, vector<16xf32>
          %jit3A_316 = arith.constant 51 : i32
          %broadcast_in_dim3A_317 = vector.broadcast %jit3A_316 : i32 to vector<16xi32>
          %select_n3A_318 = arith.select %gt3A_314, %broadcast_in_dim3A_317, %select_n3A_286 : vector<16xi1>, vector<16xi32>
          %broadcast_in_dim3A_319 = arith.constant 4 : i32
          %broadcast_in_dim3A_320 = vector.broadcast %broadcast_in_dim3A_319 : i32 to vector<16xi32>
          %gather3A_321 = tpu.vector_load_idx %arg7[%add3A_178, %broadcast_in_dim3A_320] : memref<160x64xf32, #tpu.memory_space<vmem>>[vector<16xi32>, vector<16xi32>], vector<16xf32>,
          %gt3A_322 = arith.cmpf ogt, %gather3A_321, %select_n3A_291 : vector<16xf32>
          %select_n3A_323 = arith.select %gt3A_322, %gather3A_321, %select_n3A_291 : vector<16xi1>, vector<16xf32>
          %jit3A_324 = arith.constant 4 : i32
          %broadcast_in_dim3A_325 = vector.broadcast %jit3A_324 : i32 to vector<16xi32>
          %select_n3A_326 = arith.select %gt3A_322, %broadcast_in_dim3A_325, %select_n3A_294 : vector<16xi1>, vector<16xi32>
          %broadcast_in_dim3A_327 = arith.constant 20 : i32
          %broadcast_in_dim3A_328 = vector.broadcast %broadcast_in_dim3A_327 : i32 to vector<16xi32>
          %gather3A_329 = tpu.vector_load_idx %arg7[%add3A_178, %broadcast_in_dim3A_328] : memref<160x64xf32, #tpu.memory_space<vmem>>[vector<16xi32>, vector<16xi32>], vector<16xf32>,
          %gt3A_330 = arith.cmpf ogt, %gather3A_329, %select_n3A_299 : vector<16xf32>
          %select_n3A_331 = arith.select %gt3A_330, %gather3A_329, %select_n3A_299 : vector<16xi1>, vector<16xf32>
          %jit3A_332 = arith.constant 20 : i32
          %broadcast_in_dim3A_333 = vector.broadcast %jit3A_332 : i32 to vector<16xi32>
          %select_n3A_334 = arith.select %gt3A_330, %broadcast_in_dim3A_333, %select_n3A_302 : vector<16xi1>, vector<16xi32>
          %broadcast_in_dim3A_335 = arith.constant 36 : i32
          %broadcast_in_dim3A_336 = vector.broadcast %broadcast_in_dim3A_335 : i32 to vector<16xi32>
          %gather3A_337 = tpu.vector_load_idx %arg7[%add3A_178, %broadcast_in_dim3A_336] : memref<160x64xf32, #tpu.memory_space<vmem>>[vector<16xi32>, vector<16xi32>], vector<16xf32>,
          %gt3A_338 = arith.cmpf ogt, %gather3A_337, %select_n3A_307 : vector<16xf32>
          %select_n3A_339 = arith.select %gt3A_338, %gather3A_337, %select_n3A_307 : vector<16xi1>, vector<16xf32>
          %jit3A_340 = arith.constant 36 : i32
          %broadcast_in_dim3A_341 = vector.broadcast %jit3A_340 : i32 to vector<16xi32>
          %select_n3A_342 = arith.select %gt3A_338, %broadcast_in_dim3A_341, %select_n3A_310 : vector<16xi1>, vector<16xi32>
          %broadcast_in_dim3A_343 = arith.constant 52 : i32
          %broadcast_in_dim3A_344 = vector.broadcast %broadcast_in_dim3A_343 : i32 to vector<16xi32>
          %gather3A_345 = tpu.vector_load_idx %arg7[%add3A_178, %broadcast_in_dim3A_344] : memref<160x64xf32, #tpu.memory_space<vmem>>[vector<16xi32>, vector<16xi32>], vector<16xf32>,
          %gt3A_346 = arith.cmpf ogt, %gather3A_345, %select_n3A_315 : vector<16xf32>
          %select_n3A_347 = arith.select %gt3A_346, %gather3A_345, %select_n3A_315 : vector<16xi1>, vector<16xf32>
          %jit3A_348 = arith.constant 52 : i32
          %broadcast_in_dim3A_349 = vector.broadcast %jit3A_348 : i32 to vector<16xi32>
          %select_n3A_350 = arith.select %gt3A_346, %broadcast_in_dim3A_349, %select_n3A_318 : vector<16xi1>, vector<16xi32>
          %broadcast_in_dim3A_351 = arith.constant 5 : i32
          %broadcast_in_dim3A_352 = vector.broadcast %broadcast_in_dim3A_351 : i32 to vector<16xi32>
          %gather3A_353 = tpu.vector_load_idx %arg7[%add3A_178, %broadcast_in_dim3A_352] : memref<160x64xf32, #tpu.memory_space<vmem>>[vector<16xi32>, vector<16xi32>], vector<16xf32>,
          %gt3A_354 = arith.cmpf ogt, %gather3A_353, %select_n3A_323 : vector<16xf32>
          %select_n3A_355 = arith.select %gt3A_354, %gather3A_353, %select_n3A_323 : vector<16xi1>, vector<16xf32>
          %jit3A_356 = arith.constant 5 : i32
          %broadcast_in_dim3A_357 = vector.broadcast %jit3A_356 : i32 to vector<16xi32>
          %select_n3A_358 = arith.select %gt3A_354, %broadcast_in_dim3A_357, %select_n3A_326 : vector<16xi1>, vector<16xi32>
          %broadcast_in_dim3A_359 = arith.constant 21 : i32
          %broadcast_in_dim3A_360 = vector.broadcast %broadcast_in_dim3A_359 : i32 to vector<16xi32>
          %gather3A_361 = tpu.vector_load_idx %arg7[%add3A_178, %broadcast_in_dim3A_360] : memref<160x64xf32, #tpu.memory_space<vmem>>[vector<16xi32>, vector<16xi32>], vector<16xf32>,
          %gt3A_362 = arith.cmpf ogt, %gather3A_361, %select_n3A_331 : vector<16xf32>
          %select_n3A_363 = arith.select %gt3A_362, %gather3A_361, %select_n3A_331 : vector<16xi1>, vector<16xf32>
          %jit3A_364 = arith.constant 21 : i32
          %broadcast_in_dim3A_365 = vector.broadcast %jit3A_364 : i32 to vector<16xi32>
          %select_n3A_366 = arith.select %gt3A_362, %broadcast_in_dim3A_365, %select_n3A_334 : vector<16xi1>, vector<16xi32>
          %broadcast_in_dim3A_367 = arith.constant 37 : i32
          %broadcast_in_dim3A_368 = vector.broadcast %broadcast_in_dim3A_367 : i32 to vector<16xi32>
          %gather3A_369 = tpu.vector_load_idx %arg7[%add3A_178, %broadcast_in_dim3A_368] : memref<160x64xf32, #tpu.memory_space<vmem>>[vector<16xi32>, vector<16xi32>], vector<16xf32>,
          %gt3A_370 = arith.cmpf ogt, %gather3A_369, %select_n3A_339 : vector<16xf32>
          %select_n3A_371 = arith.select %gt3A_370, %gather3A_369, %select_n3A_339 : vector<16xi1>, vector<16xf32>
          %jit3A_372 = arith.constant 37 : i32
          %broadcast_in_dim3A_373 = vector.broadcast %jit3A_372 : i32 to vector<16xi32>
          %select_n3A_374 = arith.select %gt3A_370, %broadcast_in_dim3A_373, %select_n3A_342 : vector<16xi1>, vector<16xi32>
          %broadcast_in_dim3A_375 = arith.constant 53 : i32
          %broadcast_in_dim3A_376 = vector.broadcast %broadcast_in_dim3A_375 : i32 to vector<16xi32>
          %gather3A_377 = tpu.vector_load_idx %arg7[%add3A_178, %broadcast_in_dim3A_376] : memref<160x64xf32, #tpu.memory_space<vmem>>[vector<16xi32>, vector<16xi32>], vector<16xf32>,
          %gt3A_378 = arith.cmpf ogt, %gather3A_377, %select_n3A_347 : vector<16xf32>
          %select_n3A_379 = arith.select %gt3A_378, %gather3A_377, %select_n3A_347 : vector<16xi1>, vector<16xf32>
          %jit3A_380 = arith.constant 53 : i32
          %broadcast_in_dim3A_381 = vector.broadcast %jit3A_380 : i32 to vector<16xi32>
          %select_n3A_382 = arith.select %gt3A_378, %broadcast_in_dim3A_381, %select_n3A_350 : vector<16xi1>, vector<16xi32>
          %broadcast_in_dim3A_383 = arith.constant 6 : i32
          %broadcast_in_dim3A_384 = vector.broadcast %broadcast_in_dim3A_383 : i32 to vector<16xi32>
          %gather3A_385 = tpu.vector_load_idx %arg7[%add3A_178, %broadcast_in_dim3A_384] : memref<160x64xf32, #tpu.memory_space<vmem>>[vector<16xi32>, vector<16xi32>], vector<16xf32>,
          %gt3A_386 = arith.cmpf ogt, %gather3A_385, %select_n3A_355 : vector<16xf32>
          %select_n3A_387 = arith.select %gt3A_386, %gather3A_385, %select_n3A_355 : vector<16xi1>, vector<16xf32>
          %jit3A_388 = arith.constant 6 : i32
          %broadcast_in_dim3A_389 = vector.broadcast %jit3A_388 : i32 to vector<16xi32>
          %select_n3A_390 = arith.select %gt3A_386, %broadcast_in_dim3A_389, %select_n3A_358 : vector<16xi1>, vector<16xi32>
          %broadcast_in_dim3A_391 = arith.constant 22 : i32
          %broadcast_in_dim3A_392 = vector.broadcast %broadcast_in_dim3A_391 : i32 to vector<16xi32>
          %gather3A_393 = tpu.vector_load_idx %arg7[%add3A_178, %broadcast_in_dim3A_392] : memref<160x64xf32, #tpu.memory_space<vmem>>[vector<16xi32>, vector<16xi32>], vector<16xf32>,
          %gt3A_394 = arith.cmpf ogt, %gather3A_393, %select_n3A_363 : vector<16xf32>
          %select_n3A_395 = arith.select %gt3A_394, %gather3A_393, %select_n3A_363 : vector<16xi1>, vector<16xf32>
          %jit3A_396 = arith.constant 22 : i32
          %broadcast_in_dim3A_397 = vector.broadcast %jit3A_396 : i32 to vector<16xi32>
          %select_n3A_398 = arith.select %gt3A_394, %broadcast_in_dim3A_397, %select_n3A_366 : vector<16xi1>, vector<16xi32>
          %broadcast_in_dim3A_399 = arith.constant 38 : i32
          %broadcast_in_dim3A_400 = vector.broadcast %broadcast_in_dim3A_399 : i32 to vector<16xi32>
          %gather3A_401 = tpu.vector_load_idx %arg7[%add3A_178, %broadcast_in_dim3A_400] : memref<160x64xf32, #tpu.memory_space<vmem>>[vector<16xi32>, vector<16xi32>], vector<16xf32>,
          %gt3A_402 = arith.cmpf ogt, %gather3A_401, %select_n3A_371 : vector<16xf32>
          %select_n3A_403 = arith.select %gt3A_402, %gather3A_401, %select_n3A_371 : vector<16xi1>, vector<16xf32>
          %jit3A_404 = arith.constant 38 : i32
          %broadcast_in_dim3A_405 = vector.broadcast %jit3A_404 : i32 to vector<16xi32>
          %select_n3A_406 = arith.select %gt3A_402, %broadcast_in_dim3A_405, %select_n3A_374 : vector<16xi1>, vector<16xi32>
          %broadcast_in_dim3A_407 = arith.constant 54 : i32
          %broadcast_in_dim3A_408 = vector.broadcast %broadcast_in_dim3A_407 : i32 to vector<16xi32>
          %gather3A_409 = tpu.vector_load_idx %arg7[%add3A_178, %broadcast_in_dim3A_408] : memref<160x64xf32, #tpu.memory_space<vmem>>[vector<16xi32>, vector<16xi32>], vector<16xf32>,
          %gt3A_410 = arith.cmpf ogt, %gather3A_409, %select_n3A_379 : vector<16xf32>
          %select_n3A_411 = arith.select %gt3A_410, %gather3A_409, %select_n3A_379 : vector<16xi1>, vector<16xf32>
          %jit3A_412 = arith.constant 54 : i32
          %broadcast_in_dim3A_413 = vector.broadcast %jit3A_412 : i32 to vector<16xi32>
          %select_n3A_414 = arith.select %gt3A_410, %broadcast_in_dim3A_413, %select_n3A_382 : vector<16xi1>, vector<16xi32>
          %broadcast_in_dim3A_415 = arith.constant 7 : i32
          %broadcast_in_dim3A_416 = vector.broadcast %broadcast_in_dim3A_415 : i32 to vector<16xi32>
          %gather3A_417 = tpu.vector_load_idx %arg7[%add3A_178, %broadcast_in_dim3A_416] : memref<160x64xf32, #tpu.memory_space<vmem>>[vector<16xi32>, vector<16xi32>], vector<16xf32>,
          %gt3A_418 = arith.cmpf ogt, %gather3A_417, %select_n3A_387 : vector<16xf32>
          %select_n3A_419 = arith.select %gt3A_418, %gather3A_417, %select_n3A_387 : vector<16xi1>, vector<16xf32>
          %jit3A_420 = arith.constant 7 : i32
          %broadcast_in_dim3A_421 = vector.broadcast %jit3A_420 : i32 to vector<16xi32>
          %select_n3A_422 = arith.select %gt3A_418, %broadcast_in_dim3A_421, %select_n3A_390 : vector<16xi1>, vector<16xi32>
          %broadcast_in_dim3A_423 = arith.constant 23 : i32
          %broadcast_in_dim3A_424 = vector.broadcast %broadcast_in_dim3A_423 : i32 to vector<16xi32>
          %gather3A_425 = tpu.vector_load_idx %arg7[%add3A_178, %broadcast_in_dim3A_424] : memref<160x64xf32, #tpu.memory_space<vmem>>[vector<16xi32>, vector<16xi32>], vector<16xf32>,
          %gt3A_426 = arith.cmpf ogt, %gather3A_425, %select_n3A_395 : vector<16xf32>
          %select_n3A_427 = arith.select %gt3A_426, %gather3A_425, %select_n3A_395 : vector<16xi1>, vector<16xf32>
          %jit3A_428 = arith.constant 23 : i32
          %broadcast_in_dim3A_429 = vector.broadcast %jit3A_428 : i32 to vector<16xi32>
          %select_n3A_430 = arith.select %gt3A_426, %broadcast_in_dim3A_429, %select_n3A_398 : vector<16xi1>, vector<16xi32>
          %broadcast_in_dim3A_431 = arith.constant 39 : i32
          %broadcast_in_dim3A_432 = vector.broadcast %broadcast_in_dim3A_431 : i32 to vector<16xi32>
          %gather3A_433 = tpu.vector_load_idx %arg7[%add3A_178, %broadcast_in_dim3A_432] : memref<160x64xf32, #tpu.memory_space<vmem>>[vector<16xi32>, vector<16xi32>], vector<16xf32>,
          %gt3A_434 = arith.cmpf ogt, %gather3A_433, %select_n3A_403 : vector<16xf32>
          %select_n3A_435 = arith.select %gt3A_434, %gather3A_433, %select_n3A_403 : vector<16xi1>, vector<16xf32>
          %jit3A_436 = arith.constant 39 : i32
          %broadcast_in_dim3A_437 = vector.broadcast %jit3A_436 : i32 to vector<16xi32>
          %select_n3A_438 = arith.select %gt3A_434, %broadcast_in_dim3A_437, %select_n3A_406 : vector<16xi1>, vector<16xi32>
          %broadcast_in_dim3A_439 = arith.constant 55 : i32
          %broadcast_in_dim3A_440 = vector.broadcast %broadcast_in_dim3A_439 : i32 to vector<16xi32>
          %gather3A_441 = tpu.vector_load_idx %arg7[%add3A_178, %broadcast_in_dim3A_440] : memref<160x64xf32, #tpu.memory_space<vmem>>[vector<16xi32>, vector<16xi32>], vector<16xf32>,
          %gt3A_442 = arith.cmpf ogt, %gather3A_441, %select_n3A_411 : vector<16xf32>
          %select_n3A_443 = arith.select %gt3A_442, %gather3A_441, %select_n3A_411 : vector<16xi1>, vector<16xf32>
          %jit3A_444 = arith.constant 55 : i32
          %broadcast_in_dim3A_445 = vector.broadcast %jit3A_444 : i32 to vector<16xi32>
          %select_n3A_446 = arith.select %gt3A_442, %broadcast_in_dim3A_445, %select_n3A_414 : vector<16xi1>, vector<16xi32>
          %broadcast_in_dim3A_447 = arith.constant 8 : i32
          %broadcast_in_dim3A_448 = vector.broadcast %broadcast_in_dim3A_447 : i32 to vector<16xi32>
          %gather3A_449 = tpu.vector_load_idx %arg7[%add3A_178, %broadcast_in_dim3A_448] : memref<160x64xf32, #tpu.memory_space<vmem>>[vector<16xi32>, vector<16xi32>], vector<16xf32>,
          %gt3A_450 = arith.cmpf ogt, %gather3A_449, %select_n3A_419 : vector<16xf32>
          %select_n3A_451 = arith.select %gt3A_450, %gather3A_449, %select_n3A_419 : vector<16xi1>, vector<16xf32>
          %jit3A_452 = arith.constant 8 : i32
          %broadcast_in_dim3A_453 = vector.broadcast %jit3A_452 : i32 to vector<16xi32>
          %select_n3A_454 = arith.select %gt3A_450, %broadcast_in_dim3A_453, %select_n3A_422 : vector<16xi1>, vector<16xi32>
          %broadcast_in_dim3A_455 = arith.constant 24 : i32
          %broadcast_in_dim3A_456 = vector.broadcast %broadcast_in_dim3A_455 : i32 to vector<16xi32>
          %gather3A_457 = tpu.vector_load_idx %arg7[%add3A_178, %broadcast_in_dim3A_456] : memref<160x64xf32, #tpu.memory_space<vmem>>[vector<16xi32>, vector<16xi32>], vector<16xf32>,
          %gt3A_458 = arith.cmpf ogt, %gather3A_457, %select_n3A_427 : vector<16xf32>
          %select_n3A_459 = arith.select %gt3A_458, %gather3A_457, %select_n3A_427 : vector<16xi1>, vector<16xf32>
          %jit3A_460 = arith.constant 24 : i32
          %broadcast_in_dim3A_461 = vector.broadcast %jit3A_460 : i32 to vector<16xi32>
          %select_n3A_462 = arith.select %gt3A_458, %broadcast_in_dim3A_461, %select_n3A_430 : vector<16xi1>, vector<16xi32>
          %broadcast_in_dim3A_463 = arith.constant 40 : i32
          %broadcast_in_dim3A_464 = vector.broadcast %broadcast_in_dim3A_463 : i32 to vector<16xi32>
          %gather3A_465 = tpu.vector_load_idx %arg7[%add3A_178, %broadcast_in_dim3A_464] : memref<160x64xf32, #tpu.memory_space<vmem>>[vector<16xi32>, vector<16xi32>], vector<16xf32>,
          %gt3A_466 = arith.cmpf ogt, %gather3A_465, %select_n3A_435 : vector<16xf32>
          %select_n3A_467 = arith.select %gt3A_466, %gather3A_465, %select_n3A_435 : vector<16xi1>, vector<16xf32>
          %jit3A_468 = arith.constant 40 : i32
          %broadcast_in_dim3A_469 = vector.broadcast %jit3A_468 : i32 to vector<16xi32>
          %select_n3A_470 = arith.select %gt3A_466, %broadcast_in_dim3A_469, %select_n3A_438 : vector<16xi1>, vector<16xi32>
          %broadcast_in_dim3A_471 = arith.constant 56 : i32
          %broadcast_in_dim3A_472 = vector.broadcast %broadcast_in_dim3A_471 : i32 to vector<16xi32>
          %gather3A_473 = tpu.vector_load_idx %arg7[%add3A_178, %broadcast_in_dim3A_472] : memref<160x64xf32, #tpu.memory_space<vmem>>[vector<16xi32>, vector<16xi32>], vector<16xf32>,
          %gt3A_474 = arith.cmpf ogt, %gather3A_473, %select_n3A_443 : vector<16xf32>
          %select_n3A_475 = arith.select %gt3A_474, %gather3A_473, %select_n3A_443 : vector<16xi1>, vector<16xf32>
          %jit3A_476 = arith.constant 56 : i32
          %broadcast_in_dim3A_477 = vector.broadcast %jit3A_476 : i32 to vector<16xi32>
          %select_n3A_478 = arith.select %gt3A_474, %broadcast_in_dim3A_477, %select_n3A_446 : vector<16xi1>, vector<16xi32>
          %broadcast_in_dim3A_479 = arith.constant 9 : i32
          %broadcast_in_dim3A_480 = vector.broadcast %broadcast_in_dim3A_479 : i32 to vector<16xi32>
          %gather3A_481 = tpu.vector_load_idx %arg7[%add3A_178, %broadcast_in_dim3A_480] : memref<160x64xf32, #tpu.memory_space<vmem>>[vector<16xi32>, vector<16xi32>], vector<16xf32>,
          %gt3A_482 = arith.cmpf ogt, %gather3A_481, %select_n3A_451 : vector<16xf32>
          %select_n3A_483 = arith.select %gt3A_482, %gather3A_481, %select_n3A_451 : vector<16xi1>, vector<16xf32>
          %jit3A_484 = arith.constant 9 : i32
          %broadcast_in_dim3A_485 = vector.broadcast %jit3A_484 : i32 to vector<16xi32>
          %select_n3A_486 = arith.select %gt3A_482, %broadcast_in_dim3A_485, %select_n3A_454 : vector<16xi1>, vector<16xi32>
          %broadcast_in_dim3A_487 = arith.constant 25 : i32
          %broadcast_in_dim3A_488 = vector.broadcast %broadcast_in_dim3A_487 : i32 to vector<16xi32>
          %gather3A_489 = tpu.vector_load_idx %arg7[%add3A_178, %broadcast_in_dim3A_488] : memref<160x64xf32, #tpu.memory_space<vmem>>[vector<16xi32>, vector<16xi32>], vector<16xf32>,
          %gt3A_490 = arith.cmpf ogt, %gather3A_489, %select_n3A_459 : vector<16xf32>
          %select_n3A_491 = arith.select %gt3A_490, %gather3A_489, %select_n3A_459 : vector<16xi1>, vector<16xf32>
          %jit3A_492 = arith.constant 25 : i32
          %broadcast_in_dim3A_493 = vector.broadcast %jit3A_492 : i32 to vector<16xi32>
          %select_n3A_494 = arith.select %gt3A_490, %broadcast_in_dim3A_493, %select_n3A_462 : vector<16xi1>, vector<16xi32>
          %broadcast_in_dim3A_495 = arith.constant 41 : i32
          %broadcast_in_dim3A_496 = vector.broadcast %broadcast_in_dim3A_495 : i32 to vector<16xi32>
          %gather3A_497 = tpu.vector_load_idx %arg7[%add3A_178, %broadcast_in_dim3A_496] : memref<160x64xf32, #tpu.memory_space<vmem>>[vector<16xi32>, vector<16xi32>], vector<16xf32>,
          %gt3A_498 = arith.cmpf ogt, %gather3A_497, %select_n3A_467 : vector<16xf32>
          %select_n3A_499 = arith.select %gt3A_498, %gather3A_497, %select_n3A_467 : vector<16xi1>, vector<16xf32>
          %jit3A_500 = arith.constant 41 : i32
          %broadcast_in_dim3A_501 = vector.broadcast %jit3A_500 : i32 to vector<16xi32>
          %select_n3A_502 = arith.select %gt3A_498, %broadcast_in_dim3A_501, %select_n3A_470 : vector<16xi1>, vector<16xi32>
          %broadcast_in_dim3A_503 = arith.constant 57 : i32
          %broadcast_in_dim3A_504 = vector.broadcast %broadcast_in_dim3A_503 : i32 to vector<16xi32>
          %gather3A_505 = tpu.vector_load_idx %arg7[%add3A_178, %broadcast_in_dim3A_504] : memref<160x64xf32, #tpu.memory_space<vmem>>[vector<16xi32>, vector<16xi32>], vector<16xf32>,
          %gt3A_506 = arith.cmpf ogt, %gather3A_505, %select_n3A_475 : vector<16xf32>
          %select_n3A_507 = arith.select %gt3A_506, %gather3A_505, %select_n3A_475 : vector<16xi1>, vector<16xf32>
          %jit3A_508 = arith.constant 57 : i32
          %broadcast_in_dim3A_509 = vector.broadcast %jit3A_508 : i32 to vector<16xi32>
          %select_n3A_510 = arith.select %gt3A_506, %broadcast_in_dim3A_509, %select_n3A_478 : vector<16xi1>, vector<16xi32>
          %broadcast_in_dim3A_511 = arith.constant 10 : i32
          %broadcast_in_dim3A_512 = vector.broadcast %broadcast_in_dim3A_511 : i32 to vector<16xi32>
          %gather3A_513 = tpu.vector_load_idx %arg7[%add3A_178, %broadcast_in_dim3A_512] : memref<160x64xf32, #tpu.memory_space<vmem>>[vector<16xi32>, vector<16xi32>], vector<16xf32>,
          %gt3A_514 = arith.cmpf ogt, %gather3A_513, %select_n3A_483 : vector<16xf32>
          %select_n3A_515 = arith.select %gt3A_514, %gather3A_513, %select_n3A_483 : vector<16xi1>, vector<16xf32>
          %jit3A_516 = arith.constant 10 : i32
          %broadcast_in_dim3A_517 = vector.broadcast %jit3A_516 : i32 to vector<16xi32>
          %select_n3A_518 = arith.select %gt3A_514, %broadcast_in_dim3A_517, %select_n3A_486 : vector<16xi1>, vector<16xi32>
          %broadcast_in_dim3A_519 = arith.constant 26 : i32
          %broadcast_in_dim3A_520 = vector.broadcast %broadcast_in_dim3A_519 : i32 to vector<16xi32>
          %gather3A_521 = tpu.vector_load_idx %arg7[%add3A_178, %broadcast_in_dim3A_520] : memref<160x64xf32, #tpu.memory_space<vmem>>[vector<16xi32>, vector<16xi32>], vector<16xf32>,
          %gt3A_522 = arith.cmpf ogt, %gather3A_521, %select_n3A_491 : vector<16xf32>
          %select_n3A_523 = arith.select %gt3A_522, %gather3A_521, %select_n3A_491 : vector<16xi1>, vector<16xf32>
          %jit3A_524 = arith.constant 26 : i32
          %broadcast_in_dim3A_525 = vector.broadcast %jit3A_524 : i32 to vector<16xi32>
          %select_n3A_526 = arith.select %gt3A_522, %broadcast_in_dim3A_525, %select_n3A_494 : vector<16xi1>, vector<16xi32>
          %broadcast_in_dim3A_527 = arith.constant 42 : i32
          %broadcast_in_dim3A_528 = vector.broadcast %broadcast_in_dim3A_527 : i32 to vector<16xi32>
          %gather3A_529 = tpu.vector_load_idx %arg7[%add3A_178, %broadcast_in_dim3A_528] : memref<160x64xf32, #tpu.memory_space<vmem>>[vector<16xi32>, vector<16xi32>], vector<16xf32>,
          %gt3A_530 = arith.cmpf ogt, %gather3A_529, %select_n3A_499 : vector<16xf32>
          %select_n3A_531 = arith.select %gt3A_530, %gather3A_529, %select_n3A_499 : vector<16xi1>, vector<16xf32>
          %jit3A_532 = arith.constant 42 : i32
          %broadcast_in_dim3A_533 = vector.broadcast %jit3A_532 : i32 to vector<16xi32>
          %select_n3A_534 = arith.select %gt3A_530, %broadcast_in_dim3A_533, %select_n3A_502 : vector<16xi1>, vector<16xi32>
          %broadcast_in_dim3A_535 = arith.constant 58 : i32
          %broadcast_in_dim3A_536 = vector.broadcast %broadcast_in_dim3A_535 : i32 to vector<16xi32>
          %gather3A_537 = tpu.vector_load_idx %arg7[%add3A_178, %broadcast_in_dim3A_536] : memref<160x64xf32, #tpu.memory_space<vmem>>[vector<16xi32>, vector<16xi32>], vector<16xf32>,
          %gt3A_538 = arith.cmpf ogt, %gather3A_537, %select_n3A_507 : vector<16xf32>
          %select_n3A_539 = arith.select %gt3A_538, %gather3A_537, %select_n3A_507 : vector<16xi1>, vector<16xf32>
          %jit3A_540 = arith.constant 58 : i32
          %broadcast_in_dim3A_541 = vector.broadcast %jit3A_540 : i32 to vector<16xi32>
          %select_n3A_542 = arith.select %gt3A_538, %broadcast_in_dim3A_541, %select_n3A_510 : vector<16xi1>, vector<16xi32>
          %broadcast_in_dim3A_543 = arith.constant 11 : i32
          %broadcast_in_dim3A_544 = vector.broadcast %broadcast_in_dim3A_543 : i32 to vector<16xi32>
          %gather3A_545 = tpu.vector_load_idx %arg7[%add3A_178, %broadcast_in_dim3A_544] : memref<160x64xf32, #tpu.memory_space<vmem>>[vector<16xi32>, vector<16xi32>], vector<16xf32>,
          %gt3A_546 = arith.cmpf ogt, %gather3A_545, %select_n3A_515 : vector<16xf32>
          %select_n3A_547 = arith.select %gt3A_546, %gather3A_545, %select_n3A_515 : vector<16xi1>, vector<16xf32>
          %jit3A_548 = arith.constant 11 : i32
          %broadcast_in_dim3A_549 = vector.broadcast %jit3A_548 : i32 to vector<16xi32>
          %select_n3A_550 = arith.select %gt3A_546, %broadcast_in_dim3A_549, %select_n3A_518 : vector<16xi1>, vector<16xi32>
          %broadcast_in_dim3A_551 = arith.constant 27 : i32
          %broadcast_in_dim3A_552 = vector.broadcast %broadcast_in_dim3A_551 : i32 to vector<16xi32>
          %gather3A_553 = tpu.vector_load_idx %arg7[%add3A_178, %broadcast_in_dim3A_552] : memref<160x64xf32, #tpu.memory_space<vmem>>[vector<16xi32>, vector<16xi32>], vector<16xf32>,
          %gt3A_554 = arith.cmpf ogt, %gather3A_553, %select_n3A_523 : vector<16xf32>
          %select_n3A_555 = arith.select %gt3A_554, %gather3A_553, %select_n3A_523 : vector<16xi1>, vector<16xf32>
          %jit3A_556 = arith.constant 27 : i32
          %broadcast_in_dim3A_557 = vector.broadcast %jit3A_556 : i32 to vector<16xi32>
          %select_n3A_558 = arith.select %gt3A_554, %broadcast_in_dim3A_557, %select_n3A_526 : vector<16xi1>, vector<16xi32>
          %broadcast_in_dim3A_559 = arith.constant 43 : i32
          %broadcast_in_dim3A_560 = vector.broadcast %broadcast_in_dim3A_559 : i32 to vector<16xi32>
          %gather3A_561 = tpu.vector_load_idx %arg7[%add3A_178, %broadcast_in_dim3A_560] : memref<160x64xf32, #tpu.memory_space<vmem>>[vector<16xi32>, vector<16xi32>], vector<16xf32>,
          %gt3A_562 = arith.cmpf ogt, %gather3A_561, %select_n3A_531 : vector<16xf32>
          %select_n3A_563 = arith.select %gt3A_562, %gather3A_561, %select_n3A_531 : vector<16xi1>, vector<16xf32>
          %jit3A_564 = arith.constant 43 : i32
          %broadcast_in_dim3A_565 = vector.broadcast %jit3A_564 : i32 to vector<16xi32>
          %select_n3A_566 = arith.select %gt3A_562, %broadcast_in_dim3A_565, %select_n3A_534 : vector<16xi1>, vector<16xi32>
          %broadcast_in_dim3A_567 = arith.constant 59 : i32
          %broadcast_in_dim3A_568 = vector.broadcast %broadcast_in_dim3A_567 : i32 to vector<16xi32>
          %gather3A_569 = tpu.vector_load_idx %arg7[%add3A_178, %broadcast_in_dim3A_568] : memref<160x64xf32, #tpu.memory_space<vmem>>[vector<16xi32>, vector<16xi32>], vector<16xf32>,
          %gt3A_570 = arith.cmpf ogt, %gather3A_569, %select_n3A_539 : vector<16xf32>
          %select_n3A_571 = arith.select %gt3A_570, %gather3A_569, %select_n3A_539 : vector<16xi1>, vector<16xf32>
          %jit3A_572 = arith.constant 59 : i32
          %broadcast_in_dim3A_573 = vector.broadcast %jit3A_572 : i32 to vector<16xi32>
          %select_n3A_574 = arith.select %gt3A_570, %broadcast_in_dim3A_573, %select_n3A_542 : vector<16xi1>, vector<16xi32>
          %broadcast_in_dim3A_575 = arith.constant 12 : i32
          %broadcast_in_dim3A_576 = vector.broadcast %broadcast_in_dim3A_575 : i32 to vector<16xi32>
          %gather3A_577 = tpu.vector_load_idx %arg7[%add3A_178, %broadcast_in_dim3A_576] : memref<160x64xf32, #tpu.memory_space<vmem>>[vector<16xi32>, vector<16xi32>], vector<16xf32>,
          %gt3A_578 = arith.cmpf ogt, %gather3A_577, %select_n3A_547 : vector<16xf32>
          %select_n3A_579 = arith.select %gt3A_578, %gather3A_577, %select_n3A_547 : vector<16xi1>, vector<16xf32>
          %jit3A_580 = arith.constant 12 : i32
          %broadcast_in_dim3A_581 = vector.broadcast %jit3A_580 : i32 to vector<16xi32>
          %select_n3A_582 = arith.select %gt3A_578, %broadcast_in_dim3A_581, %select_n3A_550 : vector<16xi1>, vector<16xi32>
          %broadcast_in_dim3A_583 = arith.constant 28 : i32
          %broadcast_in_dim3A_584 = vector.broadcast %broadcast_in_dim3A_583 : i32 to vector<16xi32>
          %gather3A_585 = tpu.vector_load_idx %arg7[%add3A_178, %broadcast_in_dim3A_584] : memref<160x64xf32, #tpu.memory_space<vmem>>[vector<16xi32>, vector<16xi32>], vector<16xf32>,
          %gt3A_586 = arith.cmpf ogt, %gather3A_585, %select_n3A_555 : vector<16xf32>
          %select_n3A_587 = arith.select %gt3A_586, %gather3A_585, %select_n3A_555 : vector<16xi1>, vector<16xf32>
          %jit3A_588 = arith.constant 28 : i32
          %broadcast_in_dim3A_589 = vector.broadcast %jit3A_588 : i32 to vector<16xi32>
          %select_n3A_590 = arith.select %gt3A_586, %broadcast_in_dim3A_589, %select_n3A_558 : vector<16xi1>, vector<16xi32>
          %broadcast_in_dim3A_591 = arith.constant 44 : i32
          %broadcast_in_dim3A_592 = vector.broadcast %broadcast_in_dim3A_591 : i32 to vector<16xi32>
          %gather3A_593 = tpu.vector_load_idx %arg7[%add3A_178, %broadcast_in_dim3A_592] : memref<160x64xf32, #tpu.memory_space<vmem>>[vector<16xi32>, vector<16xi32>], vector<16xf32>,
          %gt3A_594 = arith.cmpf ogt, %gather3A_593, %select_n3A_563 : vector<16xf32>
          %select_n3A_595 = arith.select %gt3A_594, %gather3A_593, %select_n3A_563 : vector<16xi1>, vector<16xf32>
          %jit3A_596 = arith.constant 44 : i32
          %broadcast_in_dim3A_597 = vector.broadcast %jit3A_596 : i32 to vector<16xi32>
          %select_n3A_598 = arith.select %gt3A_594, %broadcast_in_dim3A_597, %select_n3A_566 : vector<16xi1>, vector<16xi32>
          %broadcast_in_dim3A_599 = arith.constant 60 : i32
          %broadcast_in_dim3A_600 = vector.broadcast %broadcast_in_dim3A_599 : i32 to vector<16xi32>
          %gather3A_601 = tpu.vector_load_idx %arg7[%add3A_178, %broadcast_in_dim3A_600] : memref<160x64xf32, #tpu.memory_space<vmem>>[vector<16xi32>, vector<16xi32>], vector<16xf32>,
          %gt3A_602 = arith.cmpf ogt, %gather3A_601, %select_n3A_571 : vector<16xf32>
          %select_n3A_603 = arith.select %gt3A_602, %gather3A_601, %select_n3A_571 : vector<16xi1>, vector<16xf32>
          %jit3A_604 = arith.constant 60 : i32
          %broadcast_in_dim3A_605 = vector.broadcast %jit3A_604 : i32 to vector<16xi32>
          %select_n3A_606 = arith.select %gt3A_602, %broadcast_in_dim3A_605, %select_n3A_574 : vector<16xi1>, vector<16xi32>
          %broadcast_in_dim3A_607 = arith.constant 13 : i32
          %broadcast_in_dim3A_608 = vector.broadcast %broadcast_in_dim3A_607 : i32 to vector<16xi32>
          %gather3A_609 = tpu.vector_load_idx %arg7[%add3A_178, %broadcast_in_dim3A_608] : memref<160x64xf32, #tpu.memory_space<vmem>>[vector<16xi32>, vector<16xi32>], vector<16xf32>,
          %gt3A_610 = arith.cmpf ogt, %gather3A_609, %select_n3A_579 : vector<16xf32>
          %select_n3A_611 = arith.select %gt3A_610, %gather3A_609, %select_n3A_579 : vector<16xi1>, vector<16xf32>
          %jit3A_612 = arith.constant 13 : i32
          %broadcast_in_dim3A_613 = vector.broadcast %jit3A_612 : i32 to vector<16xi32>
          %select_n3A_614 = arith.select %gt3A_610, %broadcast_in_dim3A_613, %select_n3A_582 : vector<16xi1>, vector<16xi32>
          %broadcast_in_dim3A_615 = arith.constant 29 : i32
          %broadcast_in_dim3A_616 = vector.broadcast %broadcast_in_dim3A_615 : i32 to vector<16xi32>
          %gather3A_617 = tpu.vector_load_idx %arg7[%add3A_178, %broadcast_in_dim3A_616] : memref<160x64xf32, #tpu.memory_space<vmem>>[vector<16xi32>, vector<16xi32>], vector<16xf32>,
          %gt3A_618 = arith.cmpf ogt, %gather3A_617, %select_n3A_587 : vector<16xf32>
          %select_n3A_619 = arith.select %gt3A_618, %gather3A_617, %select_n3A_587 : vector<16xi1>, vector<16xf32>
          %jit3A_620 = arith.constant 29 : i32
          %broadcast_in_dim3A_621 = vector.broadcast %jit3A_620 : i32 to vector<16xi32>
          %select_n3A_622 = arith.select %gt3A_618, %broadcast_in_dim3A_621, %select_n3A_590 : vector<16xi1>, vector<16xi32>
          %broadcast_in_dim3A_623 = arith.constant 45 : i32
          %broadcast_in_dim3A_624 = vector.broadcast %broadcast_in_dim3A_623 : i32 to vector<16xi32>
          %gather3A_625 = tpu.vector_load_idx %arg7[%add3A_178, %broadcast_in_dim3A_624] : memref<160x64xf32, #tpu.memory_space<vmem>>[vector<16xi32>, vector<16xi32>], vector<16xf32>,
          %gt3A_626 = arith.cmpf ogt, %gather3A_625, %select_n3A_595 : vector<16xf32>
          %select_n3A_627 = arith.select %gt3A_626, %gather3A_625, %select_n3A_595 : vector<16xi1>, vector<16xf32>
          %jit3A_628 = arith.constant 45 : i32
          %broadcast_in_dim3A_629 = vector.broadcast %jit3A_628 : i32 to vector<16xi32>
          %select_n3A_630 = arith.select %gt3A_626, %broadcast_in_dim3A_629, %select_n3A_598 : vector<16xi1>, vector<16xi32>
          %broadcast_in_dim3A_631 = arith.constant 61 : i32
          %broadcast_in_dim3A_632 = vector.broadcast %broadcast_in_dim3A_631 : i32 to vector<16xi32>
          %gather3A_633 = tpu.vector_load_idx %arg7[%add3A_178, %broadcast_in_dim3A_632] : memref<160x64xf32, #tpu.memory_space<vmem>>[vector<16xi32>, vector<16xi32>], vector<16xf32>,
          %gt3A_634 = arith.cmpf ogt, %gather3A_633, %select_n3A_603 : vector<16xf32>
          %select_n3A_635 = arith.select %gt3A_634, %gather3A_633, %select_n3A_603 : vector<16xi1>, vector<16xf32>
          %jit3A_636 = arith.constant 61 : i32
          %broadcast_in_dim3A_637 = vector.broadcast %jit3A_636 : i32 to vector<16xi32>
          %select_n3A_638 = arith.select %gt3A_634, %broadcast_in_dim3A_637, %select_n3A_606 : vector<16xi1>, vector<16xi32>
          %broadcast_in_dim3A_639 = arith.constant 14 : i32
          %broadcast_in_dim3A_640 = vector.broadcast %broadcast_in_dim3A_639 : i32 to vector<16xi32>
          %gather3A_641 = tpu.vector_load_idx %arg7[%add3A_178, %broadcast_in_dim3A_640] : memref<160x64xf32, #tpu.memory_space<vmem>>[vector<16xi32>, vector<16xi32>], vector<16xf32>,
          %gt3A_642 = arith.cmpf ogt, %gather3A_641, %select_n3A_611 : vector<16xf32>
          %select_n3A_643 = arith.select %gt3A_642, %gather3A_641, %select_n3A_611 : vector<16xi1>, vector<16xf32>
          %jit3A_644 = arith.constant 14 : i32
          %broadcast_in_dim3A_645 = vector.broadcast %jit3A_644 : i32 to vector<16xi32>
          %select_n3A_646 = arith.select %gt3A_642, %broadcast_in_dim3A_645, %select_n3A_614 : vector<16xi1>, vector<16xi32>
          %broadcast_in_dim3A_647 = arith.constant 30 : i32
          %broadcast_in_dim3A_648 = vector.broadcast %broadcast_in_dim3A_647 : i32 to vector<16xi32>
          %gather3A_649 = tpu.vector_load_idx %arg7[%add3A_178, %broadcast_in_dim3A_648] : memref<160x64xf32, #tpu.memory_space<vmem>>[vector<16xi32>, vector<16xi32>], vector<16xf32>,
          %gt3A_650 = arith.cmpf ogt, %gather3A_649, %select_n3A_619 : vector<16xf32>
          %select_n3A_651 = arith.select %gt3A_650, %gather3A_649, %select_n3A_619 : vector<16xi1>, vector<16xf32>
          %jit3A_652 = arith.constant 30 : i32
          %broadcast_in_dim3A_653 = vector.broadcast %jit3A_652 : i32 to vector<16xi32>
          %select_n3A_654 = arith.select %gt3A_650, %broadcast_in_dim3A_653, %select_n3A_622 : vector<16xi1>, vector<16xi32>
          %broadcast_in_dim3A_655 = arith.constant 46 : i32
          %broadcast_in_dim3A_656 = vector.broadcast %broadcast_in_dim3A_655 : i32 to vector<16xi32>
          %gather3A_657 = tpu.vector_load_idx %arg7[%add3A_178, %broadcast_in_dim3A_656] : memref<160x64xf32, #tpu.memory_space<vmem>>[vector<16xi32>, vector<16xi32>], vector<16xf32>,
          %gt3A_658 = arith.cmpf ogt, %gather3A_657, %select_n3A_627 : vector<16xf32>
          %select_n3A_659 = arith.select %gt3A_658, %gather3A_657, %select_n3A_627 : vector<16xi1>, vector<16xf32>
          %jit3A_660 = arith.constant 46 : i32
          %broadcast_in_dim3A_661 = vector.broadcast %jit3A_660 : i32 to vector<16xi32>
          %select_n3A_662 = arith.select %gt3A_658, %broadcast_in_dim3A_661, %select_n3A_630 : vector<16xi1>, vector<16xi32>
          %broadcast_in_dim3A_663 = arith.constant 62 : i32
          %broadcast_in_dim3A_664 = vector.broadcast %broadcast_in_dim3A_663 : i32 to vector<16xi32>
          %gather3A_665 = tpu.vector_load_idx %arg7[%add3A_178, %broadcast_in_dim3A_664] : memref<160x64xf32, #tpu.memory_space<vmem>>[vector<16xi32>, vector<16xi32>], vector<16xf32>,
          %gt3A_666 = arith.cmpf ogt, %gather3A_665, %select_n3A_635 : vector<16xf32>
          %select_n3A_667 = arith.select %gt3A_666, %gather3A_665, %select_n3A_635 : vector<16xi1>, vector<16xf32>
          %jit3A_668 = arith.constant 62 : i32
          %broadcast_in_dim3A_669 = vector.broadcast %jit3A_668 : i32 to vector<16xi32>
          %select_n3A_670 = arith.select %gt3A_666, %broadcast_in_dim3A_669, %select_n3A_638 : vector<16xi1>, vector<16xi32>
          %broadcast_in_dim3A_671 = arith.constant 15 : i32
          %broadcast_in_dim3A_672 = vector.broadcast %broadcast_in_dim3A_671 : i32 to vector<16xi32>
          %gather3A_673 = tpu.vector_load_idx %arg7[%add3A_178, %broadcast_in_dim3A_672] : memref<160x64xf32, #tpu.memory_space<vmem>>[vector<16xi32>, vector<16xi32>], vector<16xf32>,
          %gt3A_674 = arith.cmpf ogt, %gather3A_673, %select_n3A_643 : vector<16xf32>
          %select_n3A_675 = arith.select %gt3A_674, %gather3A_673, %select_n3A_643 : vector<16xi1>, vector<16xf32>
          %jit3A_676 = arith.constant 15 : i32
          %broadcast_in_dim3A_677 = vector.broadcast %jit3A_676 : i32 to vector<16xi32>
          %select_n3A_678 = arith.select %gt3A_674, %broadcast_in_dim3A_677, %select_n3A_646 : vector<16xi1>, vector<16xi32>
          %broadcast_in_dim3A_679 = arith.constant 31 : i32
          %broadcast_in_dim3A_680 = vector.broadcast %broadcast_in_dim3A_679 : i32 to vector<16xi32>
          %gather3A_681 = tpu.vector_load_idx %arg7[%add3A_178, %broadcast_in_dim3A_680] : memref<160x64xf32, #tpu.memory_space<vmem>>[vector<16xi32>, vector<16xi32>], vector<16xf32>,
          %gt3A_682 = arith.cmpf ogt, %gather3A_681, %select_n3A_651 : vector<16xf32>
          %select_n3A_683 = arith.select %gt3A_682, %gather3A_681, %select_n3A_651 : vector<16xi1>, vector<16xf32>
          %jit3A_684 = arith.constant 31 : i32
          %broadcast_in_dim3A_685 = vector.broadcast %jit3A_684 : i32 to vector<16xi32>
          %select_n3A_686 = arith.select %gt3A_682, %broadcast_in_dim3A_685, %select_n3A_654 : vector<16xi1>, vector<16xi32>
          %broadcast_in_dim3A_687 = arith.constant 47 : i32
          %broadcast_in_dim3A_688 = vector.broadcast %broadcast_in_dim3A_687 : i32 to vector<16xi32>
          %gather3A_689 = tpu.vector_load_idx %arg7[%add3A_178, %broadcast_in_dim3A_688] : memref<160x64xf32, #tpu.memory_space<vmem>>[vector<16xi32>, vector<16xi32>], vector<16xf32>,
          %gt3A_690 = arith.cmpf ogt, %gather3A_689, %select_n3A_659 : vector<16xf32>
          %select_n3A_691 = arith.select %gt3A_690, %gather3A_689, %select_n3A_659 : vector<16xi1>, vector<16xf32>
          %jit3A_692 = arith.constant 47 : i32
          %broadcast_in_dim3A_693 = vector.broadcast %jit3A_692 : i32 to vector<16xi32>
          %select_n3A_694 = arith.select %gt3A_690, %broadcast_in_dim3A_693, %select_n3A_662 : vector<16xi1>, vector<16xi32>
          %broadcast_in_dim3A_695 = arith.constant 63 : i32
          %broadcast_in_dim3A_696 = vector.broadcast %broadcast_in_dim3A_695 : i32 to vector<16xi32>
          %gather3A_697 = tpu.vector_load_idx %arg7[%add3A_178, %broadcast_in_dim3A_696] : memref<160x64xf32, #tpu.memory_space<vmem>>[vector<16xi32>, vector<16xi32>], vector<16xf32>,
          %gt3A_698 = arith.cmpf ogt, %gather3A_697, %select_n3A_667 : vector<16xf32>
          %select_n3A_699 = arith.select %gt3A_698, %gather3A_697, %select_n3A_667 : vector<16xi1>, vector<16xf32>
          %jit3A_700 = arith.constant 63 : i32
          %broadcast_in_dim3A_701 = vector.broadcast %jit3A_700 : i32 to vector<16xi32>
          %select_n3A_702 = arith.select %gt3A_698, %broadcast_in_dim3A_701, %select_n3A_670 : vector<16xi1>, vector<16xi32>
          %gt3A_703 = arith.cmpf ogt, %select_n3A_683, %select_n3A_675 : vector<16xf32>
          %select_n3A_704 = arith.select %gt3A_703, %select_n3A_683, %select_n3A_675 : vector<16xi1>, vector<16xf32>
          %select_n3A_705 = arith.select %gt3A_703, %select_n3A_686, %select_n3A_678 : vector<16xi1>, vector<16xi32>
          %gt3A_706 = arith.cmpf ogt, %select_n3A_691, %select_n3A_704 : vector<16xf32>
          %select_n3A_707 = arith.select %gt3A_706, %select_n3A_691, %select_n3A_704 : vector<16xi1>, vector<16xf32>
          %select_n3A_708 = arith.select %gt3A_706, %select_n3A_694, %select_n3A_705 : vector<16xi1>, vector<16xi32>
          %gt3A_709 = arith.cmpf ogt, %select_n3A_699, %select_n3A_707 : vector<16xf32>
          %select_n3A_710 = arith.select %gt3A_709, %select_n3A_699, %select_n3A_707 : vector<16xi1>, vector<16xf32>
          %select_n3A_711 = arith.select %gt3A_709, %select_n3A_702, %select_n3A_708 : vector<16xi1>, vector<16xi32>
          %mul3A_712 = arith.constant 16 : i32
          %mul3A_713 = arith.muli %scan3A_174, %mul3A_712 : i32
          %dma_start3A = arith.constant 0 : i32
          %dma_start3A_714 = tpu.memref_slice %arg8[%mul3A_713, %dma_start3A] : memref<160x128xf32, #tpu.memory_space<vmem>> -> memref<16x128xf32, #tpu.memory_space<vmem>>
          %dma_start3A_715 = arith.constant 0 : i32
          %dma_start3A_716 = arith.constant 0 : i32
          %dma_start3A_717 = tpu.memref_slice %arg11[%arg1, %dma_start3A_715, %dma_start3A_716] : memref<16x64x128xf32, #tpu.memory_space<vmem_shared>> -> memref<1x64x128xf32, #tpu.memory_space<vmem_shared>>
          %dma_start3A_718 = tpu.memref_squeeze %dma_start3A_717 : memref<1x64x128xf32, #tpu.memory_space<vmem_shared>> -> memref<64x128xf32, #tpu.memory_space<vmem_shared>>
          %dma_start3A_719 = arith.constant 0 : i32
          %dma_start3A_720 = arith.constant 0 : i32
          %dma_start3A_721 = tpu.memref_slice %dma_start3A_718[%dma_start3A_719, %dma_start3A_720] : memref<64x128xf32, #tpu.memory_space<vmem_shared>> -> memref<64x128xf32, #tpu.memory_space<vmem_shared>>
          tpu.enqueue_indirect_dma source(%dma_start3A_714 : memref<16x128xf32, #tpu.memory_space<vmem>>) target(%dma_start3A_721 : memref<64x128xf32, #tpu.memory_space<vmem_shared>>) offsets(%select_n3A_711 : vector<16xi32>) semaphore(%arg14 : memref<!tpu.dma_semaphore, #tpu.memory_space<semaphore_mem>>) {add = true}
          %broadcast_in_dim3A_722 = arith.constant 1.000000e+00 : f32
          %broadcast_in_dim3A_723 = vector.broadcast %broadcast_in_dim3A_722 : f32 to vector<16xf32>
          tpu.vector_store_idx %arg10[%select_n3A_711], %broadcast_in_dim3A_723 {add = true} : memref<64xf32, #tpu.memory_space<vmem>>[vector<16xi32>], vector<16xf32>,
        }
        %scan3A_71 = arith.constant 10 : i32
        %broadcast_in_dim3A_72 = arith.constant 0 : i32
        %broadcast_in_dim3A_73 = vector.broadcast %broadcast_in_dim3A_72 : i32 to vector<16xi32>
        %dma_wait3A_74 = arith.constant 0 : i32
        %dma_wait3A_75 = arith.constant 0 : i32
        %dma_wait3A_76 = tpu.memref_slice %arg8[%dma_wait3A_74, %dma_wait3A_75] : memref<160x128xf32, #tpu.memory_space<vmem>> -> memref<16x128xf32, #tpu.memory_space<vmem>>
        %dma_wait3A_77 = arith.constant 0 : i32
        %dma_wait3A_78 = arith.constant 0 : i32
        %dma_wait3A_79 = tpu.memref_slice %arg11[%arg1, %dma_wait3A_77, %dma_wait3A_78] : memref<16x64x128xf32, #tpu.memory_space<vmem_shared>> -> memref<1x64x128xf32, #tpu.memory_space<vmem_shared>>
        %dma_wait3A_80 = tpu.memref_squeeze %dma_wait3A_79 : memref<1x64x128xf32, #tpu.memory_space<vmem_shared>> -> memref<64x128xf32, #tpu.memory_space<vmem_shared>>
        %dma_wait3A_81 = arith.constant 0 : i32
        %dma_wait3A_82 = arith.constant 0 : i32
        %dma_wait3A_83 = tpu.memref_slice %dma_wait3A_80[%dma_wait3A_81, %dma_wait3A_82] : memref<64x128xf32, #tpu.memory_space<vmem_shared>> -> memref<64x128xf32, #tpu.memory_space<vmem_shared>>
        tpu.wait_indirect_dma semaphore(%arg14 : memref<!tpu.dma_semaphore, #tpu.memory_space<semaphore_mem>>) src(%dma_wait3A_76 : memref<16x128xf32, #tpu.memory_space<vmem>>) dst(%dma_wait3A_83 : memref<64x128xf32, #tpu.memory_space<vmem_shared>>)
        %dma_wait3A_84 = arith.constant 0 : i32
        %dma_wait3A_85 = arith.constant 0 : i32
        %dma_wait3A_86 = tpu.memref_slice %arg8[%dma_wait3A_84, %dma_wait3A_85] : memref<160x128xf32, #tpu.memory_space<vmem>> -> memref<16x128xf32, #tpu.memory_space<vmem>>
        %dma_wait3A_87 = arith.constant 0 : i32
        %dma_wait3A_88 = arith.constant 0 : i32
        %dma_wait3A_89 = tpu.memref_slice %arg11[%arg1, %dma_wait3A_87, %dma_wait3A_88] : memref<16x64x128xf32, #tpu.memory_space<vmem_shared>> -> memref<1x64x128xf32, #tpu.memory_space<vmem_shared>>
        %dma_wait3A_90 = tpu.memref_squeeze %dma_wait3A_89 : memref<1x64x128xf32, #tpu.memory_space<vmem_shared>> -> memref<64x128xf32, #tpu.memory_space<vmem_shared>>
        %dma_wait3A_91 = arith.constant 0 : i32
        %dma_wait3A_92 = arith.constant 0 : i32
        %dma_wait3A_93 = tpu.memref_slice %dma_wait3A_90[%dma_wait3A_91, %dma_wait3A_92] : memref<64x128xf32, #tpu.memory_space<vmem_shared>> -> memref<64x128xf32, #tpu.memory_space<vmem_shared>>
        tpu.wait_indirect_dma semaphore(%arg14 : memref<!tpu.dma_semaphore, #tpu.memory_space<semaphore_mem>>) src(%dma_wait3A_86 : memref<16x128xf32, #tpu.memory_space<vmem>>) dst(%dma_wait3A_93 : memref<64x128xf32, #tpu.memory_space<vmem_shared>>)
        %dma_wait3A_94 = arith.constant 0 : i32
        %dma_wait3A_95 = arith.constant 0 : i32
        %dma_wait3A_96 = tpu.memref_slice %arg8[%dma_wait3A_94, %dma_wait3A_95] : memref<160x128xf32, #tpu.memory_space<vmem>> -> memref<16x128xf32, #tpu.memory_space<vmem>>
        %dma_wait3A_97 = arith.constant 0 : i32
        %dma_wait3A_98 = arith.constant 0 : i32
        %dma_wait3A_99 = tpu.memref_slice %arg11[%arg1, %dma_wait3A_97, %dma_wait3A_98] : memref<16x64x128xf32, #tpu.memory_space<vmem_shared>> -> memref<1x64x128xf32, #tpu.memory_space<vmem_shared>>
        %dma_wait3A_100 = tpu.memref_squeeze %dma_wait3A_99 : memref<1x64x128xf32, #tpu.memory_space<vmem_shared>> -> memref<64x128xf32, #tpu.memory_space<vmem_shared>>
        %dma_wait3A_101 = arith.constant 0 : i32
        %dma_wait3A_102 = arith.constant 0 : i32
        %dma_wait3A_103 = tpu.memref_slice %dma_wait3A_100[%dma_wait3A_101, %dma_wait3A_102] : memref<64x128xf32, #tpu.memory_space<vmem_shared>> -> memref<64x128xf32, #tpu.memory_space<vmem_shared>>
        tpu.wait_indirect_dma semaphore(%arg14 : memref<!tpu.dma_semaphore, #tpu.memory_space<semaphore_mem>>) src(%dma_wait3A_96 : memref<16x128xf32, #tpu.memory_space<vmem>>) dst(%dma_wait3A_103 : memref<64x128xf32, #tpu.memory_space<vmem_shared>>)
        %dma_wait3A_104 = arith.constant 0 : i32
        %dma_wait3A_105 = arith.constant 0 : i32
        %dma_wait3A_106 = tpu.memref_slice %arg8[%dma_wait3A_104, %dma_wait3A_105] : memref<160x128xf32, #tpu.memory_space<vmem>> -> memref<16x128xf32, #tpu.memory_space<vmem>>
        %dma_wait3A_107 = arith.constant 0 : i32
        %dma_wait3A_108 = arith.constant 0 : i32
        %dma_wait3A_109 = tpu.memref_slice %arg11[%arg1, %dma_wait3A_107, %dma_wait3A_108] : memref<16x64x128xf32, #tpu.memory_space<vmem_shared>> -> memref<1x64x128xf32, #tpu.memory_space<vmem_shared>>
        %dma_wait3A_110 = tpu.memref_squeeze %dma_wait3A_109 : memref<1x64x128xf32, #tpu.memory_space<vmem_shared>> -> memref<64x128xf32, #tpu.memory_space<vmem_shared>>
        %dma_wait3A_111 = arith.constant 0 : i32
        %dma_wait3A_112 = arith.constant 0 : i32
        %dma_wait3A_113 = tpu.memref_slice %dma_wait3A_110[%dma_wait3A_111, %dma_wait3A_112] : memref<64x128xf32, #tpu.memory_space<vmem_shared>> -> memref<64x128xf32, #tpu.memory_space<vmem_shared>>
        tpu.wait_indirect_dma semaphore(%arg14 : memref<!tpu.dma_semaphore, #tpu.memory_space<semaphore_mem>>) src(%dma_wait3A_106 : memref<16x128xf32, #tpu.memory_space<vmem>>) dst(%dma_wait3A_113 : memref<64x128xf32, #tpu.memory_space<vmem_shared>>)
        %dma_wait3A_114 = arith.constant 0 : i32
        %dma_wait3A_115 = arith.constant 0 : i32
        %dma_wait3A_116 = tpu.memref_slice %arg8[%dma_wait3A_114, %dma_wait3A_115] : memref<160x128xf32, #tpu.memory_space<vmem>> -> memref<16x128xf32, #tpu.memory_space<vmem>>
        %dma_wait3A_117 = arith.constant 0 : i32
        %dma_wait3A_118 = arith.constant 0 : i32
        %dma_wait3A_119 = tpu.memref_slice %arg11[%arg1, %dma_wait3A_117, %dma_wait3A_118] : memref<16x64x128xf32, #tpu.memory_space<vmem_shared>> -> memref<1x64x128xf32, #tpu.memory_space<vmem_shared>>
        %dma_wait3A_120 = tpu.memref_squeeze %dma_wait3A_119 : memref<1x64x128xf32, #tpu.memory_space<vmem_shared>> -> memref<64x128xf32, #tpu.memory_space<vmem_shared>>
        %dma_wait3A_121 = arith.constant 0 : i32
        %dma_wait3A_122 = arith.constant 0 : i32
        %dma_wait3A_123 = tpu.memref_slice %dma_wait3A_120[%dma_wait3A_121, %dma_wait3A_122] : memref<64x128xf32, #tpu.memory_space<vmem_shared>> -> memref<64x128xf32, #tpu.memory_space<vmem_shared>>
        tpu.wait_indirect_dma semaphore(%arg14 : memref<!tpu.dma_semaphore, #tpu.memory_space<semaphore_mem>>) src(%dma_wait3A_116 : memref<16x128xf32, #tpu.memory_space<vmem>>) dst(%dma_wait3A_123 : memref<64x128xf32, #tpu.memory_space<vmem_shared>>)
        %dma_wait3A_124 = arith.constant 0 : i32
        %dma_wait3A_125 = arith.constant 0 : i32
        %dma_wait3A_126 = tpu.memref_slice %arg8[%dma_wait3A_124, %dma_wait3A_125] : memref<160x128xf32, #tpu.memory_space<vmem>> -> memref<16x128xf32, #tpu.memory_space<vmem>>
        %dma_wait3A_127 = arith.constant 0 : i32
        %dma_wait3A_128 = arith.constant 0 : i32
        %dma_wait3A_129 = tpu.memref_slice %arg11[%arg1, %dma_wait3A_127, %dma_wait3A_128] : memref<16x64x128xf32, #tpu.memory_space<vmem_shared>> -> memref<1x64x128xf32, #tpu.memory_space<vmem_shared>>
        %dma_wait3A_130 = tpu.memref_squeeze %dma_wait3A_129 : memref<1x64x128xf32, #tpu.memory_space<vmem_shared>> -> memref<64x128xf32, #tpu.memory_space<vmem_shared>>
        %dma_wait3A_131 = arith.constant 0 : i32
        %dma_wait3A_132 = arith.constant 0 : i32
        %dma_wait3A_133 = tpu.memref_slice %dma_wait3A_130[%dma_wait3A_131, %dma_wait3A_132] : memref<64x128xf32, #tpu.memory_space<vmem_shared>> -> memref<64x128xf32, #tpu.memory_space<vmem_shared>>
        tpu.wait_indirect_dma semaphore(%arg14 : memref<!tpu.dma_semaphore, #tpu.memory_space<semaphore_mem>>) src(%dma_wait3A_126 : memref<16x128xf32, #tpu.memory_space<vmem>>) dst(%dma_wait3A_133 : memref<64x128xf32, #tpu.memory_space<vmem_shared>>)
        %dma_wait3A_134 = arith.constant 0 : i32
        %dma_wait3A_135 = arith.constant 0 : i32
        %dma_wait3A_136 = tpu.memref_slice %arg8[%dma_wait3A_134, %dma_wait3A_135] : memref<160x128xf32, #tpu.memory_space<vmem>> -> memref<16x128xf32, #tpu.memory_space<vmem>>
        %dma_wait3A_137 = arith.constant 0 : i32
        %dma_wait3A_138 = arith.constant 0 : i32
        %dma_wait3A_139 = tpu.memref_slice %arg11[%arg1, %dma_wait3A_137, %dma_wait3A_138] : memref<16x64x128xf32, #tpu.memory_space<vmem_shared>> -> memref<1x64x128xf32, #tpu.memory_space<vmem_shared>>
        %dma_wait3A_140 = tpu.memref_squeeze %dma_wait3A_139 : memref<1x64x128xf32, #tpu.memory_space<vmem_shared>> -> memref<64x128xf32, #tpu.memory_space<vmem_shared>>
        %dma_wait3A_141 = arith.constant 0 : i32
        %dma_wait3A_142 = arith.constant 0 : i32
        %dma_wait3A_143 = tpu.memref_slice %dma_wait3A_140[%dma_wait3A_141, %dma_wait3A_142] : memref<64x128xf32, #tpu.memory_space<vmem_shared>> -> memref<64x128xf32, #tpu.memory_space<vmem_shared>>
        tpu.wait_indirect_dma semaphore(%arg14 : memref<!tpu.dma_semaphore, #tpu.memory_space<semaphore_mem>>) src(%dma_wait3A_136 : memref<16x128xf32, #tpu.memory_space<vmem>>) dst(%dma_wait3A_143 : memref<64x128xf32, #tpu.memory_space<vmem_shared>>)
        %dma_wait3A_144 = arith.constant 0 : i32
        %dma_wait3A_145 = arith.constant 0 : i32
        %dma_wait3A_146 = tpu.memref_slice %arg8[%dma_wait3A_144, %dma_wait3A_145] : memref<160x128xf32, #tpu.memory_space<vmem>> -> memref<16x128xf32, #tpu.memory_space<vmem>>
        %dma_wait3A_147 = arith.constant 0 : i32
        %dma_wait3A_148 = arith.constant 0 : i32
        %dma_wait3A_149 = tpu.memref_slice %arg11[%arg1, %dma_wait3A_147, %dma_wait3A_148] : memref<16x64x128xf32, #tpu.memory_space<vmem_shared>> -> memref<1x64x128xf32, #tpu.memory_space<vmem_shared>>
        %dma_wait3A_150 = tpu.memref_squeeze %dma_wait3A_149 : memref<1x64x128xf32, #tpu.memory_space<vmem_shared>> -> memref<64x128xf32, #tpu.memory_space<vmem_shared>>
        %dma_wait3A_151 = arith.constant 0 : i32
        %dma_wait3A_152 = arith.constant 0 : i32
        %dma_wait3A_153 = tpu.memref_slice %dma_wait3A_150[%dma_wait3A_151, %dma_wait3A_152] : memref<64x128xf32, #tpu.memory_space<vmem_shared>> -> memref<64x128xf32, #tpu.memory_space<vmem_shared>>
        tpu.wait_indirect_dma semaphore(%arg14 : memref<!tpu.dma_semaphore, #tpu.memory_space<semaphore_mem>>) src(%dma_wait3A_146 : memref<16x128xf32, #tpu.memory_space<vmem>>) dst(%dma_wait3A_153 : memref<64x128xf32, #tpu.memory_space<vmem_shared>>)
        %dma_wait3A_154 = arith.constant 0 : i32
        %dma_wait3A_155 = arith.constant 0 : i32
        %dma_wait3A_156 = tpu.memref_slice %arg8[%dma_wait3A_154, %dma_wait3A_155] : memref<160x128xf32, #tpu.memory_space<vmem>> -> memref<16x128xf32, #tpu.memory_space<vmem>>
        %dma_wait3A_157 = arith.constant 0 : i32
        %dma_wait3A_158 = arith.constant 0 : i32
        %dma_wait3A_159 = tpu.memref_slice %arg11[%arg1, %dma_wait3A_157, %dma_wait3A_158] : memref<16x64x128xf32, #tpu.memory_space<vmem_shared>> -> memref<1x64x128xf32, #tpu.memory_space<vmem_shared>>
        %dma_wait3A_160 = tpu.memref_squeeze %dma_wait3A_159 : memref<1x64x128xf32, #tpu.memory_space<vmem_shared>> -> memref<64x128xf32, #tpu.memory_space<vmem_shared>>
        %dma_wait3A_161 = arith.constant 0 : i32
        %dma_wait3A_162 = arith.constant 0 : i32
        %dma_wait3A_163 = tpu.memref_slice %dma_wait3A_160[%dma_wait3A_161, %dma_wait3A_162] : memref<64x128xf32, #tpu.memory_space<vmem_shared>> -> memref<64x128xf32, #tpu.memory_space<vmem_shared>>
        tpu.wait_indirect_dma semaphore(%arg14 : memref<!tpu.dma_semaphore, #tpu.memory_space<semaphore_mem>>) src(%dma_wait3A_156 : memref<16x128xf32, #tpu.memory_space<vmem>>) dst(%dma_wait3A_163 : memref<64x128xf32, #tpu.memory_space<vmem_shared>>)
        %dma_wait3A_164 = arith.constant 0 : i32
        %dma_wait3A_165 = arith.constant 0 : i32
        %dma_wait3A_166 = tpu.memref_slice %arg8[%dma_wait3A_164, %dma_wait3A_165] : memref<160x128xf32, #tpu.memory_space<vmem>> -> memref<16x128xf32, #tpu.memory_space<vmem>>
        %dma_wait3A_167 = arith.constant 0 : i32
        %dma_wait3A_168 = arith.constant 0 : i32
        %dma_wait3A_169 = tpu.memref_slice %arg11[%arg1, %dma_wait3A_167, %dma_wait3A_168] : memref<16x64x128xf32, #tpu.memory_space<vmem_shared>> -> memref<1x64x128xf32, #tpu.memory_space<vmem_shared>>
        %dma_wait3A_170 = tpu.memref_squeeze %dma_wait3A_169 : memref<1x64x128xf32, #tpu.memory_space<vmem_shared>> -> memref<64x128xf32, #tpu.memory_space<vmem_shared>>
        %dma_wait3A_171 = arith.constant 0 : i32
        %dma_wait3A_172 = arith.constant 0 : i32
        %dma_wait3A_173 = tpu.memref_slice %dma_wait3A_170[%dma_wait3A_171, %dma_wait3A_172] : memref<64x128xf32, #tpu.memory_space<vmem_shared>> -> memref<64x128xf32, #tpu.memory_space<vmem_shared>>
        tpu.wait_indirect_dma semaphore(%arg14 : memref<!tpu.dma_semaphore, #tpu.memory_space<semaphore_mem>>) src(%dma_wait3A_166 : memref<16x128xf32, #tpu.memory_space<vmem>>) dst(%dma_wait3A_173 : memref<64x128xf32, #tpu.memory_space<vmem_shared>>)
      } else {
      }
      %mul3A_33 = arith.constant 2 : i32
      %mul3A_34 = arith.muli %mul3A_33, %scan3A_22 : i32
      %add3A_35 = arith.constant 1 : i32
      %add3A_36 = arith.addi %mul3A_34, %add3A_35 : i32
      %mul3A_37 = arith.constant 32 : i32
      %mul3A_38 = arith.muli %add3A_36, %mul3A_37 : i32
      %add3A_39 = arith.addi %mul3A_38, %add3A : i32
      %lt3A_40 = arith.constant 625 : i32
      %lt3A_41 = arith.cmpi slt, %add3A_39, %lt3A_40 : i32
      %convert_element_type3A_42 = arith.extui %lt3A_41 : i1 to i32
      %cond3A_43 = arith.constant 0 : i32
      %cond3A_44 = arith.cmpi ne, %convert_element_type3A_42, %cond3A_43 : i32
      scf.if %cond3A_44 {
        %mul3A_45 = arith.constant 160 : i32
        %mul3A_46 = arith.muli %add3A_39, %mul3A_45 : i32
        "tpu.region"() ({
          %run_scoped3A = tpu.sem_alloc : memref<!tpu.dma_semaphore, #tpu.memory_space<semaphore_mem>>
          %dma_start3A = arith.constant 0 : i32
          %dma_start3A_174 = tpu.memref_slice %arg3[%mul3A_46, %dma_start3A] : memref<100000x64xf32, #tpu.memory_space<hbm>> -> memref<160x64xf32, #tpu.memory_space<hbm>>
          %dma_start3A_175 = arith.constant 0 : i32
          %dma_start3A_176 = tpu.memref_slice %arg3[%mul3A_46, %dma_start3A_175] : memref<100000x64xf32, #tpu.memory_space<hbm>> -> memref<160x64xf32, #tpu.memory_space<hbm>>
          tpu.enqueue_dma source(%dma_start3A_176 : memref<160x64xf32, #tpu.memory_space<hbm>>) target(%arg7 : memref<160x64xf32, #tpu.memory_space<vmem>>) target_semaphore(%run_scoped3A : memref<!tpu.dma_semaphore, #tpu.memory_space<semaphore_mem>>)
          %dma_wait3A_177 = arith.constant 0 : i32
          %dma_wait3A_178 = tpu.memref_slice %arg3[%mul3A_46, %dma_wait3A_177] : memref<100000x64xf32, #tpu.memory_space<hbm>> -> memref<160x64xf32, #tpu.memory_space<hbm>>
          %dma_wait3A_179 = arith.constant 0 : i32
          %dma_wait3A_180 = tpu.memref_slice %arg3[%mul3A_46, %dma_wait3A_179] : memref<100000x64xf32, #tpu.memory_space<hbm>> -> memref<160x64xf32, #tpu.memory_space<hbm>>
          tpu.wait_dma2 semaphore(%run_scoped3A : memref<!tpu.dma_semaphore, #tpu.memory_space<semaphore_mem>>) src(%dma_wait3A_180 : memref<160x64xf32, #tpu.memory_space<hbm>>) dst(%arg7 : memref<160x64xf32, #tpu.memory_space<vmem>>)
          tpu.yield
        }) : () -> ()
        %mul3A_47 = arith.constant 32 : i32
        %mul3A_48 = arith.muli %add3A_36, %mul3A_47 : i32
        %add3A_49 = arith.addi %mul3A_48, %add3A : i32
        %min3A = arith.constant 624 : i32
        %min3A_50 = arith.minsi %add3A_49, %min3A : i32
        %mul3A_51 = arith.constant 160 : i32
        %mul3A_52 = arith.muli %min3A_50, %mul3A_51 : i32
        %dma_wait3A = arith.constant 0 : i32
        %dma_wait3A_53 = tpu.memref_slice %arg2[%mul3A_52, %dma_wait3A] : memref<100000x128xf32, #tpu.memory_space<hbm>> -> memref<160x128xf32, #tpu.memory_space<hbm>>
        %dma_wait3A_54 = arith.constant 0 : i32
        %dma_wait3A_55 = tpu.memref_slice %arg2[%mul3A_52, %dma_wait3A_54] : memref<100000x128xf32, #tpu.memory_space<hbm>> -> memref<160x128xf32, #tpu.memory_space<hbm>>
        tpu.wait_dma2 semaphore(%arg13 : memref<!tpu.dma_semaphore, #tpu.memory_space<semaphore_mem>>) src(%dma_wait3A_55 : memref<160x128xf32, #tpu.memory_space<hbm>>) dst(%arg9 : memref<160x128xf32, #tpu.memory_space<vmem>>)
        %add3A_56 = arith.constant 1 : i32
        %add3A_57 = arith.addi %add3A_36, %add3A_56 : i32
        %mul3A_58 = arith.constant 32 : i32
        %mul3A_59 = arith.muli %add3A_57, %mul3A_58 : i32
        %add3A_60 = arith.addi %mul3A_59, %add3A : i32
        %lt3A_61 = arith.constant 625 : i32
        %lt3A_62 = arith.cmpi slt, %add3A_60, %lt3A_61 : i32
        %convert_element_type3A_63 = arith.extui %lt3A_62 : i1 to i32
        %cond3A_64 = arith.constant 0 : i32
        %cond3A_65 = arith.cmpi ne, %convert_element_type3A_63, %cond3A_64 : i32
        scf.if %cond3A_65 {
          %add3A_174 = arith.constant 1 : i32
          %add3A_175 = arith.addi %add3A_36, %add3A_174 : i32
          %mul3A_176 = arith.constant 32 : i32
          %mul3A_177 = arith.muli %add3A_175, %mul3A_176 : i32
          %add3A_178 = arith.addi %mul3A_177, %add3A : i32
          %min3A_179 = arith.constant 624 : i32
          %min3A_180 = arith.minsi %add3A_178, %min3A_179 : i32
          %mul3A_181 = arith.constant 160 : i32
          %mul3A_182 = arith.muli %min3A_180, %mul3A_181 : i32
          %dma_start3A = arith.constant 0 : i32
          %dma_start3A_183 = tpu.memref_slice %arg2[%mul3A_182, %dma_start3A] : memref<100000x128xf32, #tpu.memory_space<hbm>> -> memref<160x128xf32, #tpu.memory_space<hbm>>
          %dma_start3A_184 = arith.constant 0 : i32
          %dma_start3A_185 = tpu.memref_slice %arg2[%mul3A_182, %dma_start3A_184] : memref<100000x128xf32, #tpu.memory_space<hbm>> -> memref<160x128xf32, #tpu.memory_space<hbm>>
          tpu.enqueue_dma source(%dma_start3A_185 : memref<160x128xf32, #tpu.memory_space<hbm>>) target(%arg8 : memref<160x128xf32, #tpu.memory_space<vmem>>) target_semaphore(%arg12 : memref<!tpu.dma_semaphore, #tpu.memory_space<semaphore_mem>>)
        } else {
        }
        %scan3A_66 = arith.constant 0 : i32
        %scan3A_67 = arith.constant 0 : i32
        %scan3A_68 = arith.constant 10 : i32
        %scan3A_69 = arith.addi %scan3A_67, %scan3A_68 : i32
        %scan3A_70 = arith.constant 1 : i32
        scf.for %scan3A_174 = %scan3A_67 to %scan3A_69 step %scan3A_70  : i32 {
          %mul3A_175 = arith.constant 16 : i32
          %mul3A_176 = arith.muli %scan3A_174, %mul3A_175 : i32
          %iota3A = tpu.iota {dimensions = array<i32: 0>} : vector<16xi32>
          %add3A_177 = vector.broadcast %mul3A_176 : i32 to vector<16xi32>
          %add3A_178 = arith.addi %add3A_177, %iota3A : vector<16xi32>
          %broadcast_in_dim3A_179 = arith.constant 0xFF800000 : f32
          %broadcast_in_dim3A_180 = vector.broadcast %broadcast_in_dim3A_179 : f32 to vector<16xf32>
          %broadcast_in_dim3A_181 = arith.constant 0xFF800000 : f32
          %broadcast_in_dim3A_182 = vector.broadcast %broadcast_in_dim3A_181 : f32 to vector<16xf32>
          %broadcast_in_dim3A_183 = arith.constant 0xFF800000 : f32
          %broadcast_in_dim3A_184 = vector.broadcast %broadcast_in_dim3A_183 : f32 to vector<16xf32>
          %broadcast_in_dim3A_185 = arith.constant 0xFF800000 : f32
          %broadcast_in_dim3A_186 = vector.broadcast %broadcast_in_dim3A_185 : f32 to vector<16xf32>
          %broadcast_in_dim3A_187 = arith.constant 0 : i32
          %broadcast_in_dim3A_188 = vector.broadcast %broadcast_in_dim3A_187 : i32 to vector<16xi32>
          %broadcast_in_dim3A_189 = arith.constant 0 : i32
          %broadcast_in_dim3A_190 = vector.broadcast %broadcast_in_dim3A_189 : i32 to vector<16xi32>
          %broadcast_in_dim3A_191 = arith.constant 0 : i32
          %broadcast_in_dim3A_192 = vector.broadcast %broadcast_in_dim3A_191 : i32 to vector<16xi32>
          %broadcast_in_dim3A_193 = arith.constant 0 : i32
          %broadcast_in_dim3A_194 = vector.broadcast %broadcast_in_dim3A_193 : i32 to vector<16xi32>
          %broadcast_in_dim3A_195 = arith.constant 0 : i32
          %broadcast_in_dim3A_196 = vector.broadcast %broadcast_in_dim3A_195 : i32 to vector<16xi32>
          %gather3A = tpu.vector_load_idx %arg7[%add3A_178, %broadcast_in_dim3A_196] : memref<160x64xf32, #tpu.memory_space<vmem>>[vector<16xi32>, vector<16xi32>], vector<16xf32>,
          %gt3A = arith.cmpf ogt, %gather3A, %broadcast_in_dim3A_180 : vector<16xf32>
          %select_n3A = arith.select %gt3A, %gather3A, %broadcast_in_dim3A_180 : vector<16xi1>, vector<16xf32>
          %jit3A = arith.constant 0 : i32
          %broadcast_in_dim3A_197 = vector.broadcast %jit3A : i32 to vector<16xi32>
          %select_n3A_198 = arith.select %gt3A, %broadcast_in_dim3A_197, %broadcast_in_dim3A_188 : vector<16xi1>, vector<16xi32>
          %broadcast_in_dim3A_199 = arith.constant 16 : i32
          %broadcast_in_dim3A_200 = vector.broadcast %broadcast_in_dim3A_199 : i32 to vector<16xi32>
          %gather3A_201 = tpu.vector_load_idx %arg7[%add3A_178, %broadcast_in_dim3A_200] : memref<160x64xf32, #tpu.memory_space<vmem>>[vector<16xi32>, vector<16xi32>], vector<16xf32>,
          %gt3A_202 = arith.cmpf ogt, %gather3A_201, %broadcast_in_dim3A_182 : vector<16xf32>
          %select_n3A_203 = arith.select %gt3A_202, %gather3A_201, %broadcast_in_dim3A_182 : vector<16xi1>, vector<16xf32>
          %jit3A_204 = arith.constant 16 : i32
          %broadcast_in_dim3A_205 = vector.broadcast %jit3A_204 : i32 to vector<16xi32>
          %select_n3A_206 = arith.select %gt3A_202, %broadcast_in_dim3A_205, %broadcast_in_dim3A_190 : vector<16xi1>, vector<16xi32>
          %broadcast_in_dim3A_207 = arith.constant 32 : i32
          %broadcast_in_dim3A_208 = vector.broadcast %broadcast_in_dim3A_207 : i32 to vector<16xi32>
          %gather3A_209 = tpu.vector_load_idx %arg7[%add3A_178, %broadcast_in_dim3A_208] : memref<160x64xf32, #tpu.memory_space<vmem>>[vector<16xi32>, vector<16xi32>], vector<16xf32>,
          %gt3A_210 = arith.cmpf ogt, %gather3A_209, %broadcast_in_dim3A_184 : vector<16xf32>
          %select_n3A_211 = arith.select %gt3A_210, %gather3A_209, %broadcast_in_dim3A_184 : vector<16xi1>, vector<16xf32>
          %jit3A_212 = arith.constant 32 : i32
          %broadcast_in_dim3A_213 = vector.broadcast %jit3A_212 : i32 to vector<16xi32>
          %select_n3A_214 = arith.select %gt3A_210, %broadcast_in_dim3A_213, %broadcast_in_dim3A_192 : vector<16xi1>, vector<16xi32>
          %broadcast_in_dim3A_215 = arith.constant 48 : i32
          %broadcast_in_dim3A_216 = vector.broadcast %broadcast_in_dim3A_215 : i32 to vector<16xi32>
          %gather3A_217 = tpu.vector_load_idx %arg7[%add3A_178, %broadcast_in_dim3A_216] : memref<160x64xf32, #tpu.memory_space<vmem>>[vector<16xi32>, vector<16xi32>], vector<16xf32>,
          %gt3A_218 = arith.cmpf ogt, %gather3A_217, %broadcast_in_dim3A_186 : vector<16xf32>
          %select_n3A_219 = arith.select %gt3A_218, %gather3A_217, %broadcast_in_dim3A_186 : vector<16xi1>, vector<16xf32>
          %jit3A_220 = arith.constant 48 : i32
          %broadcast_in_dim3A_221 = vector.broadcast %jit3A_220 : i32 to vector<16xi32>
          %select_n3A_222 = arith.select %gt3A_218, %broadcast_in_dim3A_221, %broadcast_in_dim3A_194 : vector<16xi1>, vector<16xi32>
          %broadcast_in_dim3A_223 = arith.constant 1 : i32
          %broadcast_in_dim3A_224 = vector.broadcast %broadcast_in_dim3A_223 : i32 to vector<16xi32>
          %gather3A_225 = tpu.vector_load_idx %arg7[%add3A_178, %broadcast_in_dim3A_224] : memref<160x64xf32, #tpu.memory_space<vmem>>[vector<16xi32>, vector<16xi32>], vector<16xf32>,
          %gt3A_226 = arith.cmpf ogt, %gather3A_225, %select_n3A : vector<16xf32>
          %select_n3A_227 = arith.select %gt3A_226, %gather3A_225, %select_n3A : vector<16xi1>, vector<16xf32>
          %jit3A_228 = arith.constant 1 : i32
          %broadcast_in_dim3A_229 = vector.broadcast %jit3A_228 : i32 to vector<16xi32>
          %select_n3A_230 = arith.select %gt3A_226, %broadcast_in_dim3A_229, %select_n3A_198 : vector<16xi1>, vector<16xi32>
          %broadcast_in_dim3A_231 = arith.constant 17 : i32
          %broadcast_in_dim3A_232 = vector.broadcast %broadcast_in_dim3A_231 : i32 to vector<16xi32>
          %gather3A_233 = tpu.vector_load_idx %arg7[%add3A_178, %broadcast_in_dim3A_232] : memref<160x64xf32, #tpu.memory_space<vmem>>[vector<16xi32>, vector<16xi32>], vector<16xf32>,
          %gt3A_234 = arith.cmpf ogt, %gather3A_233, %select_n3A_203 : vector<16xf32>
          %select_n3A_235 = arith.select %gt3A_234, %gather3A_233, %select_n3A_203 : vector<16xi1>, vector<16xf32>
          %jit3A_236 = arith.constant 17 : i32
          %broadcast_in_dim3A_237 = vector.broadcast %jit3A_236 : i32 to vector<16xi32>
          %select_n3A_238 = arith.select %gt3A_234, %broadcast_in_dim3A_237, %select_n3A_206 : vector<16xi1>, vector<16xi32>
          %broadcast_in_dim3A_239 = arith.constant 33 : i32
          %broadcast_in_dim3A_240 = vector.broadcast %broadcast_in_dim3A_239 : i32 to vector<16xi32>
          %gather3A_241 = tpu.vector_load_idx %arg7[%add3A_178, %broadcast_in_dim3A_240] : memref<160x64xf32, #tpu.memory_space<vmem>>[vector<16xi32>, vector<16xi32>], vector<16xf32>,
          %gt3A_242 = arith.cmpf ogt, %gather3A_241, %select_n3A_211 : vector<16xf32>
          %select_n3A_243 = arith.select %gt3A_242, %gather3A_241, %select_n3A_211 : vector<16xi1>, vector<16xf32>
          %jit3A_244 = arith.constant 33 : i32
          %broadcast_in_dim3A_245 = vector.broadcast %jit3A_244 : i32 to vector<16xi32>
          %select_n3A_246 = arith.select %gt3A_242, %broadcast_in_dim3A_245, %select_n3A_214 : vector<16xi1>, vector<16xi32>
          %broadcast_in_dim3A_247 = arith.constant 49 : i32
          %broadcast_in_dim3A_248 = vector.broadcast %broadcast_in_dim3A_247 : i32 to vector<16xi32>
          %gather3A_249 = tpu.vector_load_idx %arg7[%add3A_178, %broadcast_in_dim3A_248] : memref<160x64xf32, #tpu.memory_space<vmem>>[vector<16xi32>, vector<16xi32>], vector<16xf32>,
          %gt3A_250 = arith.cmpf ogt, %gather3A_249, %select_n3A_219 : vector<16xf32>
          %select_n3A_251 = arith.select %gt3A_250, %gather3A_249, %select_n3A_219 : vector<16xi1>, vector<16xf32>
          %jit3A_252 = arith.constant 49 : i32
          %broadcast_in_dim3A_253 = vector.broadcast %jit3A_252 : i32 to vector<16xi32>
          %select_n3A_254 = arith.select %gt3A_250, %broadcast_in_dim3A_253, %select_n3A_222 : vector<16xi1>, vector<16xi32>
          %broadcast_in_dim3A_255 = arith.constant 2 : i32
          %broadcast_in_dim3A_256 = vector.broadcast %broadcast_in_dim3A_255 : i32 to vector<16xi32>
          %gather3A_257 = tpu.vector_load_idx %arg7[%add3A_178, %broadcast_in_dim3A_256] : memref<160x64xf32, #tpu.memory_space<vmem>>[vector<16xi32>, vector<16xi32>], vector<16xf32>,
          %gt3A_258 = arith.cmpf ogt, %gather3A_257, %select_n3A_227 : vector<16xf32>
          %select_n3A_259 = arith.select %gt3A_258, %gather3A_257, %select_n3A_227 : vector<16xi1>, vector<16xf32>
          %jit3A_260 = arith.constant 2 : i32
          %broadcast_in_dim3A_261 = vector.broadcast %jit3A_260 : i32 to vector<16xi32>
          %select_n3A_262 = arith.select %gt3A_258, %broadcast_in_dim3A_261, %select_n3A_230 : vector<16xi1>, vector<16xi32>
          %broadcast_in_dim3A_263 = arith.constant 18 : i32
          %broadcast_in_dim3A_264 = vector.broadcast %broadcast_in_dim3A_263 : i32 to vector<16xi32>
          %gather3A_265 = tpu.vector_load_idx %arg7[%add3A_178, %broadcast_in_dim3A_264] : memref<160x64xf32, #tpu.memory_space<vmem>>[vector<16xi32>, vector<16xi32>], vector<16xf32>,
          %gt3A_266 = arith.cmpf ogt, %gather3A_265, %select_n3A_235 : vector<16xf32>
          %select_n3A_267 = arith.select %gt3A_266, %gather3A_265, %select_n3A_235 : vector<16xi1>, vector<16xf32>
          %jit3A_268 = arith.constant 18 : i32
          %broadcast_in_dim3A_269 = vector.broadcast %jit3A_268 : i32 to vector<16xi32>
          %select_n3A_270 = arith.select %gt3A_266, %broadcast_in_dim3A_269, %select_n3A_238 : vector<16xi1>, vector<16xi32>
          %broadcast_in_dim3A_271 = arith.constant 34 : i32
          %broadcast_in_dim3A_272 = vector.broadcast %broadcast_in_dim3A_271 : i32 to vector<16xi32>
          %gather3A_273 = tpu.vector_load_idx %arg7[%add3A_178, %broadcast_in_dim3A_272] : memref<160x64xf32, #tpu.memory_space<vmem>>[vector<16xi32>, vector<16xi32>], vector<16xf32>,
          %gt3A_274 = arith.cmpf ogt, %gather3A_273, %select_n3A_243 : vector<16xf32>
          %select_n3A_275 = arith.select %gt3A_274, %gather3A_273, %select_n3A_243 : vector<16xi1>, vector<16xf32>
          %jit3A_276 = arith.constant 34 : i32
          %broadcast_in_dim3A_277 = vector.broadcast %jit3A_276 : i32 to vector<16xi32>
          %select_n3A_278 = arith.select %gt3A_274, %broadcast_in_dim3A_277, %select_n3A_246 : vector<16xi1>, vector<16xi32>
          %broadcast_in_dim3A_279 = arith.constant 50 : i32
          %broadcast_in_dim3A_280 = vector.broadcast %broadcast_in_dim3A_279 : i32 to vector<16xi32>
          %gather3A_281 = tpu.vector_load_idx %arg7[%add3A_178, %broadcast_in_dim3A_280] : memref<160x64xf32, #tpu.memory_space<vmem>>[vector<16xi32>, vector<16xi32>], vector<16xf32>,
          %gt3A_282 = arith.cmpf ogt, %gather3A_281, %select_n3A_251 : vector<16xf32>
          %select_n3A_283 = arith.select %gt3A_282, %gather3A_281, %select_n3A_251 : vector<16xi1>, vector<16xf32>
          %jit3A_284 = arith.constant 50 : i32
          %broadcast_in_dim3A_285 = vector.broadcast %jit3A_284 : i32 to vector<16xi32>
          %select_n3A_286 = arith.select %gt3A_282, %broadcast_in_dim3A_285, %select_n3A_254 : vector<16xi1>, vector<16xi32>
          %broadcast_in_dim3A_287 = arith.constant 3 : i32
          %broadcast_in_dim3A_288 = vector.broadcast %broadcast_in_dim3A_287 : i32 to vector<16xi32>
          %gather3A_289 = tpu.vector_load_idx %arg7[%add3A_178, %broadcast_in_dim3A_288] : memref<160x64xf32, #tpu.memory_space<vmem>>[vector<16xi32>, vector<16xi32>], vector<16xf32>,
          %gt3A_290 = arith.cmpf ogt, %gather3A_289, %select_n3A_259 : vector<16xf32>
          %select_n3A_291 = arith.select %gt3A_290, %gather3A_289, %select_n3A_259 : vector<16xi1>, vector<16xf32>
          %jit3A_292 = arith.constant 3 : i32
          %broadcast_in_dim3A_293 = vector.broadcast %jit3A_292 : i32 to vector<16xi32>
          %select_n3A_294 = arith.select %gt3A_290, %broadcast_in_dim3A_293, %select_n3A_262 : vector<16xi1>, vector<16xi32>
          %broadcast_in_dim3A_295 = arith.constant 19 : i32
          %broadcast_in_dim3A_296 = vector.broadcast %broadcast_in_dim3A_295 : i32 to vector<16xi32>
          %gather3A_297 = tpu.vector_load_idx %arg7[%add3A_178, %broadcast_in_dim3A_296] : memref<160x64xf32, #tpu.memory_space<vmem>>[vector<16xi32>, vector<16xi32>], vector<16xf32>,
          %gt3A_298 = arith.cmpf ogt, %gather3A_297, %select_n3A_267 : vector<16xf32>
          %select_n3A_299 = arith.select %gt3A_298, %gather3A_297, %select_n3A_267 : vector<16xi1>, vector<16xf32>
          %jit3A_300 = arith.constant 19 : i32
          %broadcast_in_dim3A_301 = vector.broadcast %jit3A_300 : i32 to vector<16xi32>
          %select_n3A_302 = arith.select %gt3A_298, %broadcast_in_dim3A_301, %select_n3A_270 : vector<16xi1>, vector<16xi32>
          %broadcast_in_dim3A_303 = arith.constant 35 : i32
          %broadcast_in_dim3A_304 = vector.broadcast %broadcast_in_dim3A_303 : i32 to vector<16xi32>
          %gather3A_305 = tpu.vector_load_idx %arg7[%add3A_178, %broadcast_in_dim3A_304] : memref<160x64xf32, #tpu.memory_space<vmem>>[vector<16xi32>, vector<16xi32>], vector<16xf32>,
          %gt3A_306 = arith.cmpf ogt, %gather3A_305, %select_n3A_275 : vector<16xf32>
          %select_n3A_307 = arith.select %gt3A_306, %gather3A_305, %select_n3A_275 : vector<16xi1>, vector<16xf32>
          %jit3A_308 = arith.constant 35 : i32
          %broadcast_in_dim3A_309 = vector.broadcast %jit3A_308 : i32 to vector<16xi32>
          %select_n3A_310 = arith.select %gt3A_306, %broadcast_in_dim3A_309, %select_n3A_278 : vector<16xi1>, vector<16xi32>
          %broadcast_in_dim3A_311 = arith.constant 51 : i32
          %broadcast_in_dim3A_312 = vector.broadcast %broadcast_in_dim3A_311 : i32 to vector<16xi32>
          %gather3A_313 = tpu.vector_load_idx %arg7[%add3A_178, %broadcast_in_dim3A_312] : memref<160x64xf32, #tpu.memory_space<vmem>>[vector<16xi32>, vector<16xi32>], vector<16xf32>,
          %gt3A_314 = arith.cmpf ogt, %gather3A_313, %select_n3A_283 : vector<16xf32>
          %select_n3A_315 = arith.select %gt3A_314, %gather3A_313, %select_n3A_283 : vector<16xi1>, vector<16xf32>
          %jit3A_316 = arith.constant 51 : i32
          %broadcast_in_dim3A_317 = vector.broadcast %jit3A_316 : i32 to vector<16xi32>
          %select_n3A_318 = arith.select %gt3A_314, %broadcast_in_dim3A_317, %select_n3A_286 : vector<16xi1>, vector<16xi32>
          %broadcast_in_dim3A_319 = arith.constant 4 : i32
          %broadcast_in_dim3A_320 = vector.broadcast %broadcast_in_dim3A_319 : i32 to vector<16xi32>
          %gather3A_321 = tpu.vector_load_idx %arg7[%add3A_178, %broadcast_in_dim3A_320] : memref<160x64xf32, #tpu.memory_space<vmem>>[vector<16xi32>, vector<16xi32>], vector<16xf32>,
          %gt3A_322 = arith.cmpf ogt, %gather3A_321, %select_n3A_291 : vector<16xf32>
          %select_n3A_323 = arith.select %gt3A_322, %gather3A_321, %select_n3A_291 : vector<16xi1>, vector<16xf32>
          %jit3A_324 = arith.constant 4 : i32
          %broadcast_in_dim3A_325 = vector.broadcast %jit3A_324 : i32 to vector<16xi32>
          %select_n3A_326 = arith.select %gt3A_322, %broadcast_in_dim3A_325, %select_n3A_294 : vector<16xi1>, vector<16xi32>
          %broadcast_in_dim3A_327 = arith.constant 20 : i32
          %broadcast_in_dim3A_328 = vector.broadcast %broadcast_in_dim3A_327 : i32 to vector<16xi32>
          %gather3A_329 = tpu.vector_load_idx %arg7[%add3A_178, %broadcast_in_dim3A_328] : memref<160x64xf32, #tpu.memory_space<vmem>>[vector<16xi32>, vector<16xi32>], vector<16xf32>,
          %gt3A_330 = arith.cmpf ogt, %gather3A_329, %select_n3A_299 : vector<16xf32>
          %select_n3A_331 = arith.select %gt3A_330, %gather3A_329, %select_n3A_299 : vector<16xi1>, vector<16xf32>
          %jit3A_332 = arith.constant 20 : i32
          %broadcast_in_dim3A_333 = vector.broadcast %jit3A_332 : i32 to vector<16xi32>
          %select_n3A_334 = arith.select %gt3A_330, %broadcast_in_dim3A_333, %select_n3A_302 : vector<16xi1>, vector<16xi32>
          %broadcast_in_dim3A_335 = arith.constant 36 : i32
          %broadcast_in_dim3A_336 = vector.broadcast %broadcast_in_dim3A_335 : i32 to vector<16xi32>
          %gather3A_337 = tpu.vector_load_idx %arg7[%add3A_178, %broadcast_in_dim3A_336] : memref<160x64xf32, #tpu.memory_space<vmem>>[vector<16xi32>, vector<16xi32>], vector<16xf32>,
          %gt3A_338 = arith.cmpf ogt, %gather3A_337, %select_n3A_307 : vector<16xf32>
          %select_n3A_339 = arith.select %gt3A_338, %gather3A_337, %select_n3A_307 : vector<16xi1>, vector<16xf32>
          %jit3A_340 = arith.constant 36 : i32
          %broadcast_in_dim3A_341 = vector.broadcast %jit3A_340 : i32 to vector<16xi32>
          %select_n3A_342 = arith.select %gt3A_338, %broadcast_in_dim3A_341, %select_n3A_310 : vector<16xi1>, vector<16xi32>
          %broadcast_in_dim3A_343 = arith.constant 52 : i32
          %broadcast_in_dim3A_344 = vector.broadcast %broadcast_in_dim3A_343 : i32 to vector<16xi32>
          %gather3A_345 = tpu.vector_load_idx %arg7[%add3A_178, %broadcast_in_dim3A_344] : memref<160x64xf32, #tpu.memory_space<vmem>>[vector<16xi32>, vector<16xi32>], vector<16xf32>,
          %gt3A_346 = arith.cmpf ogt, %gather3A_345, %select_n3A_315 : vector<16xf32>
          %select_n3A_347 = arith.select %gt3A_346, %gather3A_345, %select_n3A_315 : vector<16xi1>, vector<16xf32>
          %jit3A_348 = arith.constant 52 : i32
          %broadcast_in_dim3A_349 = vector.broadcast %jit3A_348 : i32 to vector<16xi32>
          %select_n3A_350 = arith.select %gt3A_346, %broadcast_in_dim3A_349, %select_n3A_318 : vector<16xi1>, vector<16xi32>
          %broadcast_in_dim3A_351 = arith.constant 5 : i32
          %broadcast_in_dim3A_352 = vector.broadcast %broadcast_in_dim3A_351 : i32 to vector<16xi32>
          %gather3A_353 = tpu.vector_load_idx %arg7[%add3A_178, %broadcast_in_dim3A_352] : memref<160x64xf32, #tpu.memory_space<vmem>>[vector<16xi32>, vector<16xi32>], vector<16xf32>,
          %gt3A_354 = arith.cmpf ogt, %gather3A_353, %select_n3A_323 : vector<16xf32>
          %select_n3A_355 = arith.select %gt3A_354, %gather3A_353, %select_n3A_323 : vector<16xi1>, vector<16xf32>
          %jit3A_356 = arith.constant 5 : i32
          %broadcast_in_dim3A_357 = vector.broadcast %jit3A_356 : i32 to vector<16xi32>
          %select_n3A_358 = arith.select %gt3A_354, %broadcast_in_dim3A_357, %select_n3A_326 : vector<16xi1>, vector<16xi32>
          %broadcast_in_dim3A_359 = arith.constant 21 : i32
          %broadcast_in_dim3A_360 = vector.broadcast %broadcast_in_dim3A_359 : i32 to vector<16xi32>
          %gather3A_361 = tpu.vector_load_idx %arg7[%add3A_178, %broadcast_in_dim3A_360] : memref<160x64xf32, #tpu.memory_space<vmem>>[vector<16xi32>, vector<16xi32>], vector<16xf32>,
          %gt3A_362 = arith.cmpf ogt, %gather3A_361, %select_n3A_331 : vector<16xf32>
          %select_n3A_363 = arith.select %gt3A_362, %gather3A_361, %select_n3A_331 : vector<16xi1>, vector<16xf32>
          %jit3A_364 = arith.constant 21 : i32
          %broadcast_in_dim3A_365 = vector.broadcast %jit3A_364 : i32 to vector<16xi32>
          %select_n3A_366 = arith.select %gt3A_362, %broadcast_in_dim3A_365, %select_n3A_334 : vector<16xi1>, vector<16xi32>
          %broadcast_in_dim3A_367 = arith.constant 37 : i32
          %broadcast_in_dim3A_368 = vector.broadcast %broadcast_in_dim3A_367 : i32 to vector<16xi32>
          %gather3A_369 = tpu.vector_load_idx %arg7[%add3A_178, %broadcast_in_dim3A_368] : memref<160x64xf32, #tpu.memory_space<vmem>>[vector<16xi32>, vector<16xi32>], vector<16xf32>,
          %gt3A_370 = arith.cmpf ogt, %gather3A_369, %select_n3A_339 : vector<16xf32>
          %select_n3A_371 = arith.select %gt3A_370, %gather3A_369, %select_n3A_339 : vector<16xi1>, vector<16xf32>
          %jit3A_372 = arith.constant 37 : i32
          %broadcast_in_dim3A_373 = vector.broadcast %jit3A_372 : i32 to vector<16xi32>
          %select_n3A_374 = arith.select %gt3A_370, %broadcast_in_dim3A_373, %select_n3A_342 : vector<16xi1>, vector<16xi32>
          %broadcast_in_dim3A_375 = arith.constant 53 : i32
          %broadcast_in_dim3A_376 = vector.broadcast %broadcast_in_dim3A_375 : i32 to vector<16xi32>
          %gather3A_377 = tpu.vector_load_idx %arg7[%add3A_178, %broadcast_in_dim3A_376] : memref<160x64xf32, #tpu.memory_space<vmem>>[vector<16xi32>, vector<16xi32>], vector<16xf32>,
          %gt3A_378 = arith.cmpf ogt, %gather3A_377, %select_n3A_347 : vector<16xf32>
          %select_n3A_379 = arith.select %gt3A_378, %gather3A_377, %select_n3A_347 : vector<16xi1>, vector<16xf32>
          %jit3A_380 = arith.constant 53 : i32
          %broadcast_in_dim3A_381 = vector.broadcast %jit3A_380 : i32 to vector<16xi32>
          %select_n3A_382 = arith.select %gt3A_378, %broadcast_in_dim3A_381, %select_n3A_350 : vector<16xi1>, vector<16xi32>
          %broadcast_in_dim3A_383 = arith.constant 6 : i32
          %broadcast_in_dim3A_384 = vector.broadcast %broadcast_in_dim3A_383 : i32 to vector<16xi32>
          %gather3A_385 = tpu.vector_load_idx %arg7[%add3A_178, %broadcast_in_dim3A_384] : memref<160x64xf32, #tpu.memory_space<vmem>>[vector<16xi32>, vector<16xi32>], vector<16xf32>,
          %gt3A_386 = arith.cmpf ogt, %gather3A_385, %select_n3A_355 : vector<16xf32>
          %select_n3A_387 = arith.select %gt3A_386, %gather3A_385, %select_n3A_355 : vector<16xi1>, vector<16xf32>
          %jit3A_388 = arith.constant 6 : i32
          %broadcast_in_dim3A_389 = vector.broadcast %jit3A_388 : i32 to vector<16xi32>
          %select_n3A_390 = arith.select %gt3A_386, %broadcast_in_dim3A_389, %select_n3A_358 : vector<16xi1>, vector<16xi32>
          %broadcast_in_dim3A_391 = arith.constant 22 : i32
          %broadcast_in_dim3A_392 = vector.broadcast %broadcast_in_dim3A_391 : i32 to vector<16xi32>
          %gather3A_393 = tpu.vector_load_idx %arg7[%add3A_178, %broadcast_in_dim3A_392] : memref<160x64xf32, #tpu.memory_space<vmem>>[vector<16xi32>, vector<16xi32>], vector<16xf32>,
          %gt3A_394 = arith.cmpf ogt, %gather3A_393, %select_n3A_363 : vector<16xf32>
          %select_n3A_395 = arith.select %gt3A_394, %gather3A_393, %select_n3A_363 : vector<16xi1>, vector<16xf32>
          %jit3A_396 = arith.constant 22 : i32
          %broadcast_in_dim3A_397 = vector.broadcast %jit3A_396 : i32 to vector<16xi32>
          %select_n3A_398 = arith.select %gt3A_394, %broadcast_in_dim3A_397, %select_n3A_366 : vector<16xi1>, vector<16xi32>
          %broadcast_in_dim3A_399 = arith.constant 38 : i32
          %broadcast_in_dim3A_400 = vector.broadcast %broadcast_in_dim3A_399 : i32 to vector<16xi32>
          %gather3A_401 = tpu.vector_load_idx %arg7[%add3A_178, %broadcast_in_dim3A_400] : memref<160x64xf32, #tpu.memory_space<vmem>>[vector<16xi32>, vector<16xi32>], vector<16xf32>,
          %gt3A_402 = arith.cmpf ogt, %gather3A_401, %select_n3A_371 : vector<16xf32>
          %select_n3A_403 = arith.select %gt3A_402, %gather3A_401, %select_n3A_371 : vector<16xi1>, vector<16xf32>
          %jit3A_404 = arith.constant 38 : i32
          %broadcast_in_dim3A_405 = vector.broadcast %jit3A_404 : i32 to vector<16xi32>
          %select_n3A_406 = arith.select %gt3A_402, %broadcast_in_dim3A_405, %select_n3A_374 : vector<16xi1>, vector<16xi32>
          %broadcast_in_dim3A_407 = arith.constant 54 : i32
          %broadcast_in_dim3A_408 = vector.broadcast %broadcast_in_dim3A_407 : i32 to vector<16xi32>
          %gather3A_409 = tpu.vector_load_idx %arg7[%add3A_178, %broadcast_in_dim3A_408] : memref<160x64xf32, #tpu.memory_space<vmem>>[vector<16xi32>, vector<16xi32>], vector<16xf32>,
          %gt3A_410 = arith.cmpf ogt, %gather3A_409, %select_n3A_379 : vector<16xf32>
          %select_n3A_411 = arith.select %gt3A_410, %gather3A_409, %select_n3A_379 : vector<16xi1>, vector<16xf32>
          %jit3A_412 = arith.constant 54 : i32
          %broadcast_in_dim3A_413 = vector.broadcast %jit3A_412 : i32 to vector<16xi32>
          %select_n3A_414 = arith.select %gt3A_410, %broadcast_in_dim3A_413, %select_n3A_382 : vector<16xi1>, vector<16xi32>
          %broadcast_in_dim3A_415 = arith.constant 7 : i32
          %broadcast_in_dim3A_416 = vector.broadcast %broadcast_in_dim3A_415 : i32 to vector<16xi32>
          %gather3A_417 = tpu.vector_load_idx %arg7[%add3A_178, %broadcast_in_dim3A_416] : memref<160x64xf32, #tpu.memory_space<vmem>>[vector<16xi32>, vector<16xi32>], vector<16xf32>,
          %gt3A_418 = arith.cmpf ogt, %gather3A_417, %select_n3A_387 : vector<16xf32>
          %select_n3A_419 = arith.select %gt3A_418, %gather3A_417, %select_n3A_387 : vector<16xi1>, vector<16xf32>
          %jit3A_420 = arith.constant 7 : i32
          %broadcast_in_dim3A_421 = vector.broadcast %jit3A_420 : i32 to vector<16xi32>
          %select_n3A_422 = arith.select %gt3A_418, %broadcast_in_dim3A_421, %select_n3A_390 : vector<16xi1>, vector<16xi32>
          %broadcast_in_dim3A_423 = arith.constant 23 : i32
          %broadcast_in_dim3A_424 = vector.broadcast %broadcast_in_dim3A_423 : i32 to vector<16xi32>
          %gather3A_425 = tpu.vector_load_idx %arg7[%add3A_178, %broadcast_in_dim3A_424] : memref<160x64xf32, #tpu.memory_space<vmem>>[vector<16xi32>, vector<16xi32>], vector<16xf32>,
          %gt3A_426 = arith.cmpf ogt, %gather3A_425, %select_n3A_395 : vector<16xf32>
          %select_n3A_427 = arith.select %gt3A_426, %gather3A_425, %select_n3A_395 : vector<16xi1>, vector<16xf32>
          %jit3A_428 = arith.constant 23 : i32
          %broadcast_in_dim3A_429 = vector.broadcast %jit3A_428 : i32 to vector<16xi32>
          %select_n3A_430 = arith.select %gt3A_426, %broadcast_in_dim3A_429, %select_n3A_398 : vector<16xi1>, vector<16xi32>
          %broadcast_in_dim3A_431 = arith.constant 39 : i32
          %broadcast_in_dim3A_432 = vector.broadcast %broadcast_in_dim3A_431 : i32 to vector<16xi32>
          %gather3A_433 = tpu.vector_load_idx %arg7[%add3A_178, %broadcast_in_dim3A_432] : memref<160x64xf32, #tpu.memory_space<vmem>>[vector<16xi32>, vector<16xi32>], vector<16xf32>,
          %gt3A_434 = arith.cmpf ogt, %gather3A_433, %select_n3A_403 : vector<16xf32>
          %select_n3A_435 = arith.select %gt3A_434, %gather3A_433, %select_n3A_403 : vector<16xi1>, vector<16xf32>
          %jit3A_436 = arith.constant 39 : i32
          %broadcast_in_dim3A_437 = vector.broadcast %jit3A_436 : i32 to vector<16xi32>
          %select_n3A_438 = arith.select %gt3A_434, %broadcast_in_dim3A_437, %select_n3A_406 : vector<16xi1>, vector<16xi32>
          %broadcast_in_dim3A_439 = arith.constant 55 : i32
          %broadcast_in_dim3A_440 = vector.broadcast %broadcast_in_dim3A_439 : i32 to vector<16xi32>
          %gather3A_441 = tpu.vector_load_idx %arg7[%add3A_178, %broadcast_in_dim3A_440] : memref<160x64xf32, #tpu.memory_space<vmem>>[vector<16xi32>, vector<16xi32>], vector<16xf32>,
          %gt3A_442 = arith.cmpf ogt, %gather3A_441, %select_n3A_411 : vector<16xf32>
          %select_n3A_443 = arith.select %gt3A_442, %gather3A_441, %select_n3A_411 : vector<16xi1>, vector<16xf32>
          %jit3A_444 = arith.constant 55 : i32
          %broadcast_in_dim3A_445 = vector.broadcast %jit3A_444 : i32 to vector<16xi32>
          %select_n3A_446 = arith.select %gt3A_442, %broadcast_in_dim3A_445, %select_n3A_414 : vector<16xi1>, vector<16xi32>
          %broadcast_in_dim3A_447 = arith.constant 8 : i32
          %broadcast_in_dim3A_448 = vector.broadcast %broadcast_in_dim3A_447 : i32 to vector<16xi32>
          %gather3A_449 = tpu.vector_load_idx %arg7[%add3A_178, %broadcast_in_dim3A_448] : memref<160x64xf32, #tpu.memory_space<vmem>>[vector<16xi32>, vector<16xi32>], vector<16xf32>,
          %gt3A_450 = arith.cmpf ogt, %gather3A_449, %select_n3A_419 : vector<16xf32>
          %select_n3A_451 = arith.select %gt3A_450, %gather3A_449, %select_n3A_419 : vector<16xi1>, vector<16xf32>
          %jit3A_452 = arith.constant 8 : i32
          %broadcast_in_dim3A_453 = vector.broadcast %jit3A_452 : i32 to vector<16xi32>
          %select_n3A_454 = arith.select %gt3A_450, %broadcast_in_dim3A_453, %select_n3A_422 : vector<16xi1>, vector<16xi32>
          %broadcast_in_dim3A_455 = arith.constant 24 : i32
          %broadcast_in_dim3A_456 = vector.broadcast %broadcast_in_dim3A_455 : i32 to vector<16xi32>
          %gather3A_457 = tpu.vector_load_idx %arg7[%add3A_178, %broadcast_in_dim3A_456] : memref<160x64xf32, #tpu.memory_space<vmem>>[vector<16xi32>, vector<16xi32>], vector<16xf32>,
          %gt3A_458 = arith.cmpf ogt, %gather3A_457, %select_n3A_427 : vector<16xf32>
          %select_n3A_459 = arith.select %gt3A_458, %gather3A_457, %select_n3A_427 : vector<16xi1>, vector<16xf32>
          %jit3A_460 = arith.constant 24 : i32
          %broadcast_in_dim3A_461 = vector.broadcast %jit3A_460 : i32 to vector<16xi32>
          %select_n3A_462 = arith.select %gt3A_458, %broadcast_in_dim3A_461, %select_n3A_430 : vector<16xi1>, vector<16xi32>
          %broadcast_in_dim3A_463 = arith.constant 40 : i32
          %broadcast_in_dim3A_464 = vector.broadcast %broadcast_in_dim3A_463 : i32 to vector<16xi32>
          %gather3A_465 = tpu.vector_load_idx %arg7[%add3A_178, %broadcast_in_dim3A_464] : memref<160x64xf32, #tpu.memory_space<vmem>>[vector<16xi32>, vector<16xi32>], vector<16xf32>,
          %gt3A_466 = arith.cmpf ogt, %gather3A_465, %select_n3A_435 : vector<16xf32>
          %select_n3A_467 = arith.select %gt3A_466, %gather3A_465, %select_n3A_435 : vector<16xi1>, vector<16xf32>
          %jit3A_468 = arith.constant 40 : i32
          %broadcast_in_dim3A_469 = vector.broadcast %jit3A_468 : i32 to vector<16xi32>
          %select_n3A_470 = arith.select %gt3A_466, %broadcast_in_dim3A_469, %select_n3A_438 : vector<16xi1>, vector<16xi32>
          %broadcast_in_dim3A_471 = arith.constant 56 : i32
          %broadcast_in_dim3A_472 = vector.broadcast %broadcast_in_dim3A_471 : i32 to vector<16xi32>
          %gather3A_473 = tpu.vector_load_idx %arg7[%add3A_178, %broadcast_in_dim3A_472] : memref<160x64xf32, #tpu.memory_space<vmem>>[vector<16xi32>, vector<16xi32>], vector<16xf32>,
          %gt3A_474 = arith.cmpf ogt, %gather3A_473, %select_n3A_443 : vector<16xf32>
          %select_n3A_475 = arith.select %gt3A_474, %gather3A_473, %select_n3A_443 : vector<16xi1>, vector<16xf32>
          %jit3A_476 = arith.constant 56 : i32
          %broadcast_in_dim3A_477 = vector.broadcast %jit3A_476 : i32 to vector<16xi32>
          %select_n3A_478 = arith.select %gt3A_474, %broadcast_in_dim3A_477, %select_n3A_446 : vector<16xi1>, vector<16xi32>
          %broadcast_in_dim3A_479 = arith.constant 9 : i32
          %broadcast_in_dim3A_480 = vector.broadcast %broadcast_in_dim3A_479 : i32 to vector<16xi32>
          %gather3A_481 = tpu.vector_load_idx %arg7[%add3A_178, %broadcast_in_dim3A_480] : memref<160x64xf32, #tpu.memory_space<vmem>>[vector<16xi32>, vector<16xi32>], vector<16xf32>,
          %gt3A_482 = arith.cmpf ogt, %gather3A_481, %select_n3A_451 : vector<16xf32>
          %select_n3A_483 = arith.select %gt3A_482, %gather3A_481, %select_n3A_451 : vector<16xi1>, vector<16xf32>
          %jit3A_484 = arith.constant 9 : i32
          %broadcast_in_dim3A_485 = vector.broadcast %jit3A_484 : i32 to vector<16xi32>
          %select_n3A_486 = arith.select %gt3A_482, %broadcast_in_dim3A_485, %select_n3A_454 : vector<16xi1>, vector<16xi32>
          %broadcast_in_dim3A_487 = arith.constant 25 : i32
          %broadcast_in_dim3A_488 = vector.broadcast %broadcast_in_dim3A_487 : i32 to vector<16xi32>
          %gather3A_489 = tpu.vector_load_idx %arg7[%add3A_178, %broadcast_in_dim3A_488] : memref<160x64xf32, #tpu.memory_space<vmem>>[vector<16xi32>, vector<16xi32>], vector<16xf32>,
          %gt3A_490 = arith.cmpf ogt, %gather3A_489, %select_n3A_459 : vector<16xf32>
          %select_n3A_491 = arith.select %gt3A_490, %gather3A_489, %select_n3A_459 : vector<16xi1>, vector<16xf32>
          %jit3A_492 = arith.constant 25 : i32
          %broadcast_in_dim3A_493 = vector.broadcast %jit3A_492 : i32 to vector<16xi32>
          %select_n3A_494 = arith.select %gt3A_490, %broadcast_in_dim3A_493, %select_n3A_462 : vector<16xi1>, vector<16xi32>
          %broadcast_in_dim3A_495 = arith.constant 41 : i32
          %broadcast_in_dim3A_496 = vector.broadcast %broadcast_in_dim3A_495 : i32 to vector<16xi32>
          %gather3A_497 = tpu.vector_load_idx %arg7[%add3A_178, %broadcast_in_dim3A_496] : memref<160x64xf32, #tpu.memory_space<vmem>>[vector<16xi32>, vector<16xi32>], vector<16xf32>,
          %gt3A_498 = arith.cmpf ogt, %gather3A_497, %select_n3A_467 : vector<16xf32>
          %select_n3A_499 = arith.select %gt3A_498, %gather3A_497, %select_n3A_467 : vector<16xi1>, vector<16xf32>
          %jit3A_500 = arith.constant 41 : i32
          %broadcast_in_dim3A_501 = vector.broadcast %jit3A_500 : i32 to vector<16xi32>
          %select_n3A_502 = arith.select %gt3A_498, %broadcast_in_dim3A_501, %select_n3A_470 : vector<16xi1>, vector<16xi32>
          %broadcast_in_dim3A_503 = arith.constant 57 : i32
          %broadcast_in_dim3A_504 = vector.broadcast %broadcast_in_dim3A_503 : i32 to vector<16xi32>
          %gather3A_505 = tpu.vector_load_idx %arg7[%add3A_178, %broadcast_in_dim3A_504] : memref<160x64xf32, #tpu.memory_space<vmem>>[vector<16xi32>, vector<16xi32>], vector<16xf32>,
          %gt3A_506 = arith.cmpf ogt, %gather3A_505, %select_n3A_475 : vector<16xf32>
          %select_n3A_507 = arith.select %gt3A_506, %gather3A_505, %select_n3A_475 : vector<16xi1>, vector<16xf32>
          %jit3A_508 = arith.constant 57 : i32
          %broadcast_in_dim3A_509 = vector.broadcast %jit3A_508 : i32 to vector<16xi32>
          %select_n3A_510 = arith.select %gt3A_506, %broadcast_in_dim3A_509, %select_n3A_478 : vector<16xi1>, vector<16xi32>
          %broadcast_in_dim3A_511 = arith.constant 10 : i32
          %broadcast_in_dim3A_512 = vector.broadcast %broadcast_in_dim3A_511 : i32 to vector<16xi32>
          %gather3A_513 = tpu.vector_load_idx %arg7[%add3A_178, %broadcast_in_dim3A_512] : memref<160x64xf32, #tpu.memory_space<vmem>>[vector<16xi32>, vector<16xi32>], vector<16xf32>,
          %gt3A_514 = arith.cmpf ogt, %gather3A_513, %select_n3A_483 : vector<16xf32>
          %select_n3A_515 = arith.select %gt3A_514, %gather3A_513, %select_n3A_483 : vector<16xi1>, vector<16xf32>
          %jit3A_516 = arith.constant 10 : i32
          %broadcast_in_dim3A_517 = vector.broadcast %jit3A_516 : i32 to vector<16xi32>
          %select_n3A_518 = arith.select %gt3A_514, %broadcast_in_dim3A_517, %select_n3A_486 : vector<16xi1>, vector<16xi32>
          %broadcast_in_dim3A_519 = arith.constant 26 : i32
          %broadcast_in_dim3A_520 = vector.broadcast %broadcast_in_dim3A_519 : i32 to vector<16xi32>
          %gather3A_521 = tpu.vector_load_idx %arg7[%add3A_178, %broadcast_in_dim3A_520] : memref<160x64xf32, #tpu.memory_space<vmem>>[vector<16xi32>, vector<16xi32>], vector<16xf32>,
          %gt3A_522 = arith.cmpf ogt, %gather3A_521, %select_n3A_491 : vector<16xf32>
          %select_n3A_523 = arith.select %gt3A_522, %gather3A_521, %select_n3A_491 : vector<16xi1>, vector<16xf32>
          %jit3A_524 = arith.constant 26 : i32
          %broadcast_in_dim3A_525 = vector.broadcast %jit3A_524 : i32 to vector<16xi32>
          %select_n3A_526 = arith.select %gt3A_522, %broadcast_in_dim3A_525, %select_n3A_494 : vector<16xi1>, vector<16xi32>
          %broadcast_in_dim3A_527 = arith.constant 42 : i32
          %broadcast_in_dim3A_528 = vector.broadcast %broadcast_in_dim3A_527 : i32 to vector<16xi32>
          %gather3A_529 = tpu.vector_load_idx %arg7[%add3A_178, %broadcast_in_dim3A_528] : memref<160x64xf32, #tpu.memory_space<vmem>>[vector<16xi32>, vector<16xi32>], vector<16xf32>,
          %gt3A_530 = arith.cmpf ogt, %gather3A_529, %select_n3A_499 : vector<16xf32>
          %select_n3A_531 = arith.select %gt3A_530, %gather3A_529, %select_n3A_499 : vector<16xi1>, vector<16xf32>
          %jit3A_532 = arith.constant 42 : i32
          %broadcast_in_dim3A_533 = vector.broadcast %jit3A_532 : i32 to vector<16xi32>
          %select_n3A_534 = arith.select %gt3A_530, %broadcast_in_dim3A_533, %select_n3A_502 : vector<16xi1>, vector<16xi32>
          %broadcast_in_dim3A_535 = arith.constant 58 : i32
          %broadcast_in_dim3A_536 = vector.broadcast %broadcast_in_dim3A_535 : i32 to vector<16xi32>
          %gather3A_537 = tpu.vector_load_idx %arg7[%add3A_178, %broadcast_in_dim3A_536] : memref<160x64xf32, #tpu.memory_space<vmem>>[vector<16xi32>, vector<16xi32>], vector<16xf32>,
          %gt3A_538 = arith.cmpf ogt, %gather3A_537, %select_n3A_507 : vector<16xf32>
          %select_n3A_539 = arith.select %gt3A_538, %gather3A_537, %select_n3A_507 : vector<16xi1>, vector<16xf32>
          %jit3A_540 = arith.constant 58 : i32
          %broadcast_in_dim3A_541 = vector.broadcast %jit3A_540 : i32 to vector<16xi32>
          %select_n3A_542 = arith.select %gt3A_538, %broadcast_in_dim3A_541, %select_n3A_510 : vector<16xi1>, vector<16xi32>
          %broadcast_in_dim3A_543 = arith.constant 11 : i32
          %broadcast_in_dim3A_544 = vector.broadcast %broadcast_in_dim3A_543 : i32 to vector<16xi32>
          %gather3A_545 = tpu.vector_load_idx %arg7[%add3A_178, %broadcast_in_dim3A_544] : memref<160x64xf32, #tpu.memory_space<vmem>>[vector<16xi32>, vector<16xi32>], vector<16xf32>,
          %gt3A_546 = arith.cmpf ogt, %gather3A_545, %select_n3A_515 : vector<16xf32>
          %select_n3A_547 = arith.select %gt3A_546, %gather3A_545, %select_n3A_515 : vector<16xi1>, vector<16xf32>
          %jit3A_548 = arith.constant 11 : i32
          %broadcast_in_dim3A_549 = vector.broadcast %jit3A_548 : i32 to vector<16xi32>
          %select_n3A_550 = arith.select %gt3A_546, %broadcast_in_dim3A_549, %select_n3A_518 : vector<16xi1>, vector<16xi32>
          %broadcast_in_dim3A_551 = arith.constant 27 : i32
          %broadcast_in_dim3A_552 = vector.broadcast %broadcast_in_dim3A_551 : i32 to vector<16xi32>
          %gather3A_553 = tpu.vector_load_idx %arg7[%add3A_178, %broadcast_in_dim3A_552] : memref<160x64xf32, #tpu.memory_space<vmem>>[vector<16xi32>, vector<16xi32>], vector<16xf32>,
          %gt3A_554 = arith.cmpf ogt, %gather3A_553, %select_n3A_523 : vector<16xf32>
          %select_n3A_555 = arith.select %gt3A_554, %gather3A_553, %select_n3A_523 : vector<16xi1>, vector<16xf32>
          %jit3A_556 = arith.constant 27 : i32
          %broadcast_in_dim3A_557 = vector.broadcast %jit3A_556 : i32 to vector<16xi32>
          %select_n3A_558 = arith.select %gt3A_554, %broadcast_in_dim3A_557, %select_n3A_526 : vector<16xi1>, vector<16xi32>
          %broadcast_in_dim3A_559 = arith.constant 43 : i32
          %broadcast_in_dim3A_560 = vector.broadcast %broadcast_in_dim3A_559 : i32 to vector<16xi32>
          %gather3A_561 = tpu.vector_load_idx %arg7[%add3A_178, %broadcast_in_dim3A_560] : memref<160x64xf32, #tpu.memory_space<vmem>>[vector<16xi32>, vector<16xi32>], vector<16xf32>,
          %gt3A_562 = arith.cmpf ogt, %gather3A_561, %select_n3A_531 : vector<16xf32>
          %select_n3A_563 = arith.select %gt3A_562, %gather3A_561, %select_n3A_531 : vector<16xi1>, vector<16xf32>
          %jit3A_564 = arith.constant 43 : i32
          %broadcast_in_dim3A_565 = vector.broadcast %jit3A_564 : i32 to vector<16xi32>
          %select_n3A_566 = arith.select %gt3A_562, %broadcast_in_dim3A_565, %select_n3A_534 : vector<16xi1>, vector<16xi32>
          %broadcast_in_dim3A_567 = arith.constant 59 : i32
          %broadcast_in_dim3A_568 = vector.broadcast %broadcast_in_dim3A_567 : i32 to vector<16xi32>
          %gather3A_569 = tpu.vector_load_idx %arg7[%add3A_178, %broadcast_in_dim3A_568] : memref<160x64xf32, #tpu.memory_space<vmem>>[vector<16xi32>, vector<16xi32>], vector<16xf32>,
          %gt3A_570 = arith.cmpf ogt, %gather3A_569, %select_n3A_539 : vector<16xf32>
          %select_n3A_571 = arith.select %gt3A_570, %gather3A_569, %select_n3A_539 : vector<16xi1>, vector<16xf32>
          %jit3A_572 = arith.constant 59 : i32
          %broadcast_in_dim3A_573 = vector.broadcast %jit3A_572 : i32 to vector<16xi32>
          %select_n3A_574 = arith.select %gt3A_570, %broadcast_in_dim3A_573, %select_n3A_542 : vector<16xi1>, vector<16xi32>
          %broadcast_in_dim3A_575 = arith.constant 12 : i32
          %broadcast_in_dim3A_576 = vector.broadcast %broadcast_in_dim3A_575 : i32 to vector<16xi32>
          %gather3A_577 = tpu.vector_load_idx %arg7[%add3A_178, %broadcast_in_dim3A_576] : memref<160x64xf32, #tpu.memory_space<vmem>>[vector<16xi32>, vector<16xi32>], vector<16xf32>,
          %gt3A_578 = arith.cmpf ogt, %gather3A_577, %select_n3A_547 : vector<16xf32>
          %select_n3A_579 = arith.select %gt3A_578, %gather3A_577, %select_n3A_547 : vector<16xi1>, vector<16xf32>
          %jit3A_580 = arith.constant 12 : i32
          %broadcast_in_dim3A_581 = vector.broadcast %jit3A_580 : i32 to vector<16xi32>
          %select_n3A_582 = arith.select %gt3A_578, %broadcast_in_dim3A_581, %select_n3A_550 : vector<16xi1>, vector<16xi32>
          %broadcast_in_dim3A_583 = arith.constant 28 : i32
          %broadcast_in_dim3A_584 = vector.broadcast %broadcast_in_dim3A_583 : i32 to vector<16xi32>
          %gather3A_585 = tpu.vector_load_idx %arg7[%add3A_178, %broadcast_in_dim3A_584] : memref<160x64xf32, #tpu.memory_space<vmem>>[vector<16xi32>, vector<16xi32>], vector<16xf32>,
          %gt3A_586 = arith.cmpf ogt, %gather3A_585, %select_n3A_555 : vector<16xf32>
          %select_n3A_587 = arith.select %gt3A_586, %gather3A_585, %select_n3A_555 : vector<16xi1>, vector<16xf32>
          %jit3A_588 = arith.constant 28 : i32
          %broadcast_in_dim3A_589 = vector.broadcast %jit3A_588 : i32 to vector<16xi32>
          %select_n3A_590 = arith.select %gt3A_586, %broadcast_in_dim3A_589, %select_n3A_558 : vector<16xi1>, vector<16xi32>
          %broadcast_in_dim3A_591 = arith.constant 44 : i32
          %broadcast_in_dim3A_592 = vector.broadcast %broadcast_in_dim3A_591 : i32 to vector<16xi32>
          %gather3A_593 = tpu.vector_load_idx %arg7[%add3A_178, %broadcast_in_dim3A_592] : memref<160x64xf32, #tpu.memory_space<vmem>>[vector<16xi32>, vector<16xi32>], vector<16xf32>,
          %gt3A_594 = arith.cmpf ogt, %gather3A_593, %select_n3A_563 : vector<16xf32>
          %select_n3A_595 = arith.select %gt3A_594, %gather3A_593, %select_n3A_563 : vector<16xi1>, vector<16xf32>
          %jit3A_596 = arith.constant 44 : i32
          %broadcast_in_dim3A_597 = vector.broadcast %jit3A_596 : i32 to vector<16xi32>
          %select_n3A_598 = arith.select %gt3A_594, %broadcast_in_dim3A_597, %select_n3A_566 : vector<16xi1>, vector<16xi32>
          %broadcast_in_dim3A_599 = arith.constant 60 : i32
          %broadcast_in_dim3A_600 = vector.broadcast %broadcast_in_dim3A_599 : i32 to vector<16xi32>
          %gather3A_601 = tpu.vector_load_idx %arg7[%add3A_178, %broadcast_in_dim3A_600] : memref<160x64xf32, #tpu.memory_space<vmem>>[vector<16xi32>, vector<16xi32>], vector<16xf32>,
          %gt3A_602 = arith.cmpf ogt, %gather3A_601, %select_n3A_571 : vector<16xf32>
          %select_n3A_603 = arith.select %gt3A_602, %gather3A_601, %select_n3A_571 : vector<16xi1>, vector<16xf32>
          %jit3A_604 = arith.constant 60 : i32
          %broadcast_in_dim3A_605 = vector.broadcast %jit3A_604 : i32 to vector<16xi32>
          %select_n3A_606 = arith.select %gt3A_602, %broadcast_in_dim3A_605, %select_n3A_574 : vector<16xi1>, vector<16xi32>
          %broadcast_in_dim3A_607 = arith.constant 13 : i32
          %broadcast_in_dim3A_608 = vector.broadcast %broadcast_in_dim3A_607 : i32 to vector<16xi32>
          %gather3A_609 = tpu.vector_load_idx %arg7[%add3A_178, %broadcast_in_dim3A_608] : memref<160x64xf32, #tpu.memory_space<vmem>>[vector<16xi32>, vector<16xi32>], vector<16xf32>,
          %gt3A_610 = arith.cmpf ogt, %gather3A_609, %select_n3A_579 : vector<16xf32>
          %select_n3A_611 = arith.select %gt3A_610, %gather3A_609, %select_n3A_579 : vector<16xi1>, vector<16xf32>
          %jit3A_612 = arith.constant 13 : i32
          %broadcast_in_dim3A_613 = vector.broadcast %jit3A_612 : i32 to vector<16xi32>
          %select_n3A_614 = arith.select %gt3A_610, %broadcast_in_dim3A_613, %select_n3A_582 : vector<16xi1>, vector<16xi32>
          %broadcast_in_dim3A_615 = arith.constant 29 : i32
          %broadcast_in_dim3A_616 = vector.broadcast %broadcast_in_dim3A_615 : i32 to vector<16xi32>
          %gather3A_617 = tpu.vector_load_idx %arg7[%add3A_178, %broadcast_in_dim3A_616] : memref<160x64xf32, #tpu.memory_space<vmem>>[vector<16xi32>, vector<16xi32>], vector<16xf32>,
          %gt3A_618 = arith.cmpf ogt, %gather3A_617, %select_n3A_587 : vector<16xf32>
          %select_n3A_619 = arith.select %gt3A_618, %gather3A_617, %select_n3A_587 : vector<16xi1>, vector<16xf32>
          %jit3A_620 = arith.constant 29 : i32
          %broadcast_in_dim3A_621 = vector.broadcast %jit3A_620 : i32 to vector<16xi32>
          %select_n3A_622 = arith.select %gt3A_618, %broadcast_in_dim3A_621, %select_n3A_590 : vector<16xi1>, vector<16xi32>
          %broadcast_in_dim3A_623 = arith.constant 45 : i32
          %broadcast_in_dim3A_624 = vector.broadcast %broadcast_in_dim3A_623 : i32 to vector<16xi32>
          %gather3A_625 = tpu.vector_load_idx %arg7[%add3A_178, %broadcast_in_dim3A_624] : memref<160x64xf32, #tpu.memory_space<vmem>>[vector<16xi32>, vector<16xi32>], vector<16xf32>,
          %gt3A_626 = arith.cmpf ogt, %gather3A_625, %select_n3A_595 : vector<16xf32>
          %select_n3A_627 = arith.select %gt3A_626, %gather3A_625, %select_n3A_595 : vector<16xi1>, vector<16xf32>
          %jit3A_628 = arith.constant 45 : i32
          %broadcast_in_dim3A_629 = vector.broadcast %jit3A_628 : i32 to vector<16xi32>
          %select_n3A_630 = arith.select %gt3A_626, %broadcast_in_dim3A_629, %select_n3A_598 : vector<16xi1>, vector<16xi32>
          %broadcast_in_dim3A_631 = arith.constant 61 : i32
          %broadcast_in_dim3A_632 = vector.broadcast %broadcast_in_dim3A_631 : i32 to vector<16xi32>
          %gather3A_633 = tpu.vector_load_idx %arg7[%add3A_178, %broadcast_in_dim3A_632] : memref<160x64xf32, #tpu.memory_space<vmem>>[vector<16xi32>, vector<16xi32>], vector<16xf32>,
          %gt3A_634 = arith.cmpf ogt, %gather3A_633, %select_n3A_603 : vector<16xf32>
          %select_n3A_635 = arith.select %gt3A_634, %gather3A_633, %select_n3A_603 : vector<16xi1>, vector<16xf32>
          %jit3A_636 = arith.constant 61 : i32
          %broadcast_in_dim3A_637 = vector.broadcast %jit3A_636 : i32 to vector<16xi32>
          %select_n3A_638 = arith.select %gt3A_634, %broadcast_in_dim3A_637, %select_n3A_606 : vector<16xi1>, vector<16xi32>
          %broadcast_in_dim3A_639 = arith.constant 14 : i32
          %broadcast_in_dim3A_640 = vector.broadcast %broadcast_in_dim3A_639 : i32 to vector<16xi32>
          %gather3A_641 = tpu.vector_load_idx %arg7[%add3A_178, %broadcast_in_dim3A_640] : memref<160x64xf32, #tpu.memory_space<vmem>>[vector<16xi32>, vector<16xi32>], vector<16xf32>,
          %gt3A_642 = arith.cmpf ogt, %gather3A_641, %select_n3A_611 : vector<16xf32>
          %select_n3A_643 = arith.select %gt3A_642, %gather3A_641, %select_n3A_611 : vector<16xi1>, vector<16xf32>
          %jit3A_644 = arith.constant 14 : i32
          %broadcast_in_dim3A_645 = vector.broadcast %jit3A_644 : i32 to vector<16xi32>
          %select_n3A_646 = arith.select %gt3A_642, %broadcast_in_dim3A_645, %select_n3A_614 : vector<16xi1>, vector<16xi32>
          %broadcast_in_dim3A_647 = arith.constant 30 : i32
          %broadcast_in_dim3A_648 = vector.broadcast %broadcast_in_dim3A_647 : i32 to vector<16xi32>
          %gather3A_649 = tpu.vector_load_idx %arg7[%add3A_178, %broadcast_in_dim3A_648] : memref<160x64xf32, #tpu.memory_space<vmem>>[vector<16xi32>, vector<16xi32>], vector<16xf32>,
          %gt3A_650 = arith.cmpf ogt, %gather3A_649, %select_n3A_619 : vector<16xf32>
          %select_n3A_651 = arith.select %gt3A_650, %gather3A_649, %select_n3A_619 : vector<16xi1>, vector<16xf32>
          %jit3A_652 = arith.constant 30 : i32
          %broadcast_in_dim3A_653 = vector.broadcast %jit3A_652 : i32 to vector<16xi32>
          %select_n3A_654 = arith.select %gt3A_650, %broadcast_in_dim3A_653, %select_n3A_622 : vector<16xi1>, vector<16xi32>
          %broadcast_in_dim3A_655 = arith.constant 46 : i32
          %broadcast_in_dim3A_656 = vector.broadcast %broadcast_in_dim3A_655 : i32 to vector<16xi32>
          %gather3A_657 = tpu.vector_load_idx %arg7[%add3A_178, %broadcast_in_dim3A_656] : memref<160x64xf32, #tpu.memory_space<vmem>>[vector<16xi32>, vector<16xi32>], vector<16xf32>,
          %gt3A_658 = arith.cmpf ogt, %gather3A_657, %select_n3A_627 : vector<16xf32>
          %select_n3A_659 = arith.select %gt3A_658, %gather3A_657, %select_n3A_627 : vector<16xi1>, vector<16xf32>
          %jit3A_660 = arith.constant 46 : i32
          %broadcast_in_dim3A_661 = vector.broadcast %jit3A_660 : i32 to vector<16xi32>
          %select_n3A_662 = arith.select %gt3A_658, %broadcast_in_dim3A_661, %select_n3A_630 : vector<16xi1>, vector<16xi32>
          %broadcast_in_dim3A_663 = arith.constant 62 : i32
          %broadcast_in_dim3A_664 = vector.broadcast %broadcast_in_dim3A_663 : i32 to vector<16xi32>
          %gather3A_665 = tpu.vector_load_idx %arg7[%add3A_178, %broadcast_in_dim3A_664] : memref<160x64xf32, #tpu.memory_space<vmem>>[vector<16xi32>, vector<16xi32>], vector<16xf32>,
          %gt3A_666 = arith.cmpf ogt, %gather3A_665, %select_n3A_635 : vector<16xf32>
          %select_n3A_667 = arith.select %gt3A_666, %gather3A_665, %select_n3A_635 : vector<16xi1>, vector<16xf32>
          %jit3A_668 = arith.constant 62 : i32
          %broadcast_in_dim3A_669 = vector.broadcast %jit3A_668 : i32 to vector<16xi32>
          %select_n3A_670 = arith.select %gt3A_666, %broadcast_in_dim3A_669, %select_n3A_638 : vector<16xi1>, vector<16xi32>
          %broadcast_in_dim3A_671 = arith.constant 15 : i32
          %broadcast_in_dim3A_672 = vector.broadcast %broadcast_in_dim3A_671 : i32 to vector<16xi32>
          %gather3A_673 = tpu.vector_load_idx %arg7[%add3A_178, %broadcast_in_dim3A_672] : memref<160x64xf32, #tpu.memory_space<vmem>>[vector<16xi32>, vector<16xi32>], vector<16xf32>,
          %gt3A_674 = arith.cmpf ogt, %gather3A_673, %select_n3A_643 : vector<16xf32>
          %select_n3A_675 = arith.select %gt3A_674, %gather3A_673, %select_n3A_643 : vector<16xi1>, vector<16xf32>
          %jit3A_676 = arith.constant 15 : i32
          %broadcast_in_dim3A_677 = vector.broadcast %jit3A_676 : i32 to vector<16xi32>
          %select_n3A_678 = arith.select %gt3A_674, %broadcast_in_dim3A_677, %select_n3A_646 : vector<16xi1>, vector<16xi32>
          %broadcast_in_dim3A_679 = arith.constant 31 : i32
          %broadcast_in_dim3A_680 = vector.broadcast %broadcast_in_dim3A_679 : i32 to vector<16xi32>
          %gather3A_681 = tpu.vector_load_idx %arg7[%add3A_178, %broadcast_in_dim3A_680] : memref<160x64xf32, #tpu.memory_space<vmem>>[vector<16xi32>, vector<16xi32>], vector<16xf32>,
          %gt3A_682 = arith.cmpf ogt, %gather3A_681, %select_n3A_651 : vector<16xf32>
          %select_n3A_683 = arith.select %gt3A_682, %gather3A_681, %select_n3A_651 : vector<16xi1>, vector<16xf32>
          %jit3A_684 = arith.constant 31 : i32
          %broadcast_in_dim3A_685 = vector.broadcast %jit3A_684 : i32 to vector<16xi32>
          %select_n3A_686 = arith.select %gt3A_682, %broadcast_in_dim3A_685, %select_n3A_654 : vector<16xi1>, vector<16xi32>
          %broadcast_in_dim3A_687 = arith.constant 47 : i32
          %broadcast_in_dim3A_688 = vector.broadcast %broadcast_in_dim3A_687 : i32 to vector<16xi32>
          %gather3A_689 = tpu.vector_load_idx %arg7[%add3A_178, %broadcast_in_dim3A_688] : memref<160x64xf32, #tpu.memory_space<vmem>>[vector<16xi32>, vector<16xi32>], vector<16xf32>,
          %gt3A_690 = arith.cmpf ogt, %gather3A_689, %select_n3A_659 : vector<16xf32>
          %select_n3A_691 = arith.select %gt3A_690, %gather3A_689, %select_n3A_659 : vector<16xi1>, vector<16xf32>
          %jit3A_692 = arith.constant 47 : i32
          %broadcast_in_dim3A_693 = vector.broadcast %jit3A_692 : i32 to vector<16xi32>
          %select_n3A_694 = arith.select %gt3A_690, %broadcast_in_dim3A_693, %select_n3A_662 : vector<16xi1>, vector<16xi32>
          %broadcast_in_dim3A_695 = arith.constant 63 : i32
          %broadcast_in_dim3A_696 = vector.broadcast %broadcast_in_dim3A_695 : i32 to vector<16xi32>
          %gather3A_697 = tpu.vector_load_idx %arg7[%add3A_178, %broadcast_in_dim3A_696] : memref<160x64xf32, #tpu.memory_space<vmem>>[vector<16xi32>, vector<16xi32>], vector<16xf32>,
          %gt3A_698 = arith.cmpf ogt, %gather3A_697, %select_n3A_667 : vector<16xf32>
          %select_n3A_699 = arith.select %gt3A_698, %gather3A_697, %select_n3A_667 : vector<16xi1>, vector<16xf32>
          %jit3A_700 = arith.constant 63 : i32
          %broadcast_in_dim3A_701 = vector.broadcast %jit3A_700 : i32 to vector<16xi32>
          %select_n3A_702 = arith.select %gt3A_698, %broadcast_in_dim3A_701, %select_n3A_670 : vector<16xi1>, vector<16xi32>
          %gt3A_703 = arith.cmpf ogt, %select_n3A_683, %select_n3A_675 : vector<16xf32>
          %select_n3A_704 = arith.select %gt3A_703, %select_n3A_683, %select_n3A_675 : vector<16xi1>, vector<16xf32>
          %select_n3A_705 = arith.select %gt3A_703, %select_n3A_686, %select_n3A_678 : vector<16xi1>, vector<16xi32>
          %gt3A_706 = arith.cmpf ogt, %select_n3A_691, %select_n3A_704 : vector<16xf32>
          %select_n3A_707 = arith.select %gt3A_706, %select_n3A_691, %select_n3A_704 : vector<16xi1>, vector<16xf32>
          %select_n3A_708 = arith.select %gt3A_706, %select_n3A_694, %select_n3A_705 : vector<16xi1>, vector<16xi32>
          %gt3A_709 = arith.cmpf ogt, %select_n3A_699, %select_n3A_707 : vector<16xf32>
          %select_n3A_710 = arith.select %gt3A_709, %select_n3A_699, %select_n3A_707 : vector<16xi1>, vector<16xf32>
          %select_n3A_711 = arith.select %gt3A_709, %select_n3A_702, %select_n3A_708 : vector<16xi1>, vector<16xi32>
          %mul3A_712 = arith.constant 16 : i32
          %mul3A_713 = arith.muli %scan3A_174, %mul3A_712 : i32
          %dma_start3A = arith.constant 0 : i32
          %dma_start3A_714 = tpu.memref_slice %arg9[%mul3A_713, %dma_start3A] : memref<160x128xf32, #tpu.memory_space<vmem>> -> memref<16x128xf32, #tpu.memory_space<vmem>>
          %dma_start3A_715 = arith.constant 0 : i32
          %dma_start3A_716 = arith.constant 0 : i32
          %dma_start3A_717 = tpu.memref_slice %arg11[%arg1, %dma_start3A_715, %dma_start3A_716] : memref<16x64x128xf32, #tpu.memory_space<vmem_shared>> -> memref<1x64x128xf32, #tpu.memory_space<vmem_shared>>
          %dma_start3A_718 = tpu.memref_squeeze %dma_start3A_717 : memref<1x64x128xf32, #tpu.memory_space<vmem_shared>> -> memref<64x128xf32, #tpu.memory_space<vmem_shared>>
          %dma_start3A_719 = arith.constant 0 : i32
          %dma_start3A_720 = arith.constant 0 : i32
          %dma_start3A_721 = tpu.memref_slice %dma_start3A_718[%dma_start3A_719, %dma_start3A_720] : memref<64x128xf32, #tpu.memory_space<vmem_shared>> -> memref<64x128xf32, #tpu.memory_space<vmem_shared>>
          tpu.enqueue_indirect_dma source(%dma_start3A_714 : memref<16x128xf32, #tpu.memory_space<vmem>>) target(%dma_start3A_721 : memref<64x128xf32, #tpu.memory_space<vmem_shared>>) offsets(%select_n3A_711 : vector<16xi32>) semaphore(%arg14 : memref<!tpu.dma_semaphore, #tpu.memory_space<semaphore_mem>>) {add = true}
          %broadcast_in_dim3A_722 = arith.constant 1.000000e+00 : f32
          %broadcast_in_dim3A_723 = vector.broadcast %broadcast_in_dim3A_722 : f32 to vector<16xf32>
          tpu.vector_store_idx %arg10[%select_n3A_711], %broadcast_in_dim3A_723 {add = true} : memref<64xf32, #tpu.memory_space<vmem>>[vector<16xi32>], vector<16xf32>,
        }
        %scan3A_71 = arith.constant 10 : i32
        %broadcast_in_dim3A_72 = arith.constant 0 : i32
        %broadcast_in_dim3A_73 = vector.broadcast %broadcast_in_dim3A_72 : i32 to vector<16xi32>
        %dma_wait3A_74 = arith.constant 0 : i32
        %dma_wait3A_75 = arith.constant 0 : i32
        %dma_wait3A_76 = tpu.memref_slice %arg9[%dma_wait3A_74, %dma_wait3A_75] : memref<160x128xf32, #tpu.memory_space<vmem>> -> memref<16x128xf32, #tpu.memory_space<vmem>>
        %dma_wait3A_77 = arith.constant 0 : i32
        %dma_wait3A_78 = arith.constant 0 : i32
        %dma_wait3A_79 = tpu.memref_slice %arg11[%arg1, %dma_wait3A_77, %dma_wait3A_78] : memref<16x64x128xf32, #tpu.memory_space<vmem_shared>> -> memref<1x64x128xf32, #tpu.memory_space<vmem_shared>>
        %dma_wait3A_80 = tpu.memref_squeeze %dma_wait3A_79 : memref<1x64x128xf32, #tpu.memory_space<vmem_shared>> -> memref<64x128xf32, #tpu.memory_space<vmem_shared>>
        %dma_wait3A_81 = arith.constant 0 : i32
        %dma_wait3A_82 = arith.constant 0 : i32
        %dma_wait3A_83 = tpu.memref_slice %dma_wait3A_80[%dma_wait3A_81, %dma_wait3A_82] : memref<64x128xf32, #tpu.memory_space<vmem_shared>> -> memref<64x128xf32, #tpu.memory_space<vmem_shared>>
        tpu.wait_indirect_dma semaphore(%arg14 : memref<!tpu.dma_semaphore, #tpu.memory_space<semaphore_mem>>) src(%dma_wait3A_76 : memref<16x128xf32, #tpu.memory_space<vmem>>) dst(%dma_wait3A_83 : memref<64x128xf32, #tpu.memory_space<vmem_shared>>)
        %dma_wait3A_84 = arith.constant 0 : i32
        %dma_wait3A_85 = arith.constant 0 : i32
        %dma_wait3A_86 = tpu.memref_slice %arg9[%dma_wait3A_84, %dma_wait3A_85] : memref<160x128xf32, #tpu.memory_space<vmem>> -> memref<16x128xf32, #tpu.memory_space<vmem>>
        %dma_wait3A_87 = arith.constant 0 : i32
        %dma_wait3A_88 = arith.constant 0 : i32
        %dma_wait3A_89 = tpu.memref_slice %arg11[%arg1, %dma_wait3A_87, %dma_wait3A_88] : memref<16x64x128xf32, #tpu.memory_space<vmem_shared>> -> memref<1x64x128xf32, #tpu.memory_space<vmem_shared>>
        %dma_wait3A_90 = tpu.memref_squeeze %dma_wait3A_89 : memref<1x64x128xf32, #tpu.memory_space<vmem_shared>> -> memref<64x128xf32, #tpu.memory_space<vmem_shared>>
        %dma_wait3A_91 = arith.constant 0 : i32
        %dma_wait3A_92 = arith.constant 0 : i32
        %dma_wait3A_93 = tpu.memref_slice %dma_wait3A_90[%dma_wait3A_91, %dma_wait3A_92] : memref<64x128xf32, #tpu.memory_space<vmem_shared>> -> memref<64x128xf32, #tpu.memory_space<vmem_shared>>
        tpu.wait_indirect_dma semaphore(%arg14 : memref<!tpu.dma_semaphore, #tpu.memory_space<semaphore_mem>>) src(%dma_wait3A_86 : memref<16x128xf32, #tpu.memory_space<vmem>>) dst(%dma_wait3A_93 : memref<64x128xf32, #tpu.memory_space<vmem_shared>>)
        %dma_wait3A_94 = arith.constant 0 : i32
        %dma_wait3A_95 = arith.constant 0 : i32
        %dma_wait3A_96 = tpu.memref_slice %arg9[%dma_wait3A_94, %dma_wait3A_95] : memref<160x128xf32, #tpu.memory_space<vmem>> -> memref<16x128xf32, #tpu.memory_space<vmem>>
        %dma_wait3A_97 = arith.constant 0 : i32
        %dma_wait3A_98 = arith.constant 0 : i32
        %dma_wait3A_99 = tpu.memref_slice %arg11[%arg1, %dma_wait3A_97, %dma_wait3A_98] : memref<16x64x128xf32, #tpu.memory_space<vmem_shared>> -> memref<1x64x128xf32, #tpu.memory_space<vmem_shared>>
        %dma_wait3A_100 = tpu.memref_squeeze %dma_wait3A_99 : memref<1x64x128xf32, #tpu.memory_space<vmem_shared>> -> memref<64x128xf32, #tpu.memory_space<vmem_shared>>
        %dma_wait3A_101 = arith.constant 0 : i32
        %dma_wait3A_102 = arith.constant 0 : i32
        %dma_wait3A_103 = tpu.memref_slice %dma_wait3A_100[%dma_wait3A_101, %dma_wait3A_102] : memref<64x128xf32, #tpu.memory_space<vmem_shared>> -> memref<64x128xf32, #tpu.memory_space<vmem_shared>>
        tpu.wait_indirect_dma semaphore(%arg14 : memref<!tpu.dma_semaphore, #tpu.memory_space<semaphore_mem>>) src(%dma_wait3A_96 : memref<16x128xf32, #tpu.memory_space<vmem>>) dst(%dma_wait3A_103 : memref<64x128xf32, #tpu.memory_space<vmem_shared>>)
        %dma_wait3A_104 = arith.constant 0 : i32
        %dma_wait3A_105 = arith.constant 0 : i32
        %dma_wait3A_106 = tpu.memref_slice %arg9[%dma_wait3A_104, %dma_wait3A_105] : memref<160x128xf32, #tpu.memory_space<vmem>> -> memref<16x128xf32, #tpu.memory_space<vmem>>
        %dma_wait3A_107 = arith.constant 0 : i32
        %dma_wait3A_108 = arith.constant 0 : i32
        %dma_wait3A_109 = tpu.memref_slice %arg11[%arg1, %dma_wait3A_107, %dma_wait3A_108] : memref<16x64x128xf32, #tpu.memory_space<vmem_shared>> -> memref<1x64x128xf32, #tpu.memory_space<vmem_shared>>
        %dma_wait3A_110 = tpu.memref_squeeze %dma_wait3A_109 : memref<1x64x128xf32, #tpu.memory_space<vmem_shared>> -> memref<64x128xf32, #tpu.memory_space<vmem_shared>>
        %dma_wait3A_111 = arith.constant 0 : i32
        %dma_wait3A_112 = arith.constant 0 : i32
        %dma_wait3A_113 = tpu.memref_slice %dma_wait3A_110[%dma_wait3A_111, %dma_wait3A_112] : memref<64x128xf32, #tpu.memory_space<vmem_shared>> -> memref<64x128xf32, #tpu.memory_space<vmem_shared>>
        tpu.wait_indirect_dma semaphore(%arg14 : memref<!tpu.dma_semaphore, #tpu.memory_space<semaphore_mem>>) src(%dma_wait3A_106 : memref<16x128xf32, #tpu.memory_space<vmem>>) dst(%dma_wait3A_113 : memref<64x128xf32, #tpu.memory_space<vmem_shared>>)
        %dma_wait3A_114 = arith.constant 0 : i32
        %dma_wait3A_115 = arith.constant 0 : i32
        %dma_wait3A_116 = tpu.memref_slice %arg9[%dma_wait3A_114, %dma_wait3A_115] : memref<160x128xf32, #tpu.memory_space<vmem>> -> memref<16x128xf32, #tpu.memory_space<vmem>>
        %dma_wait3A_117 = arith.constant 0 : i32
        %dma_wait3A_118 = arith.constant 0 : i32
        %dma_wait3A_119 = tpu.memref_slice %arg11[%arg1, %dma_wait3A_117, %dma_wait3A_118] : memref<16x64x128xf32, #tpu.memory_space<vmem_shared>> -> memref<1x64x128xf32, #tpu.memory_space<vmem_shared>>
        %dma_wait3A_120 = tpu.memref_squeeze %dma_wait3A_119 : memref<1x64x128xf32, #tpu.memory_space<vmem_shared>> -> memref<64x128xf32, #tpu.memory_space<vmem_shared>>
        %dma_wait3A_121 = arith.constant 0 : i32
        %dma_wait3A_122 = arith.constant 0 : i32
        %dma_wait3A_123 = tpu.memref_slice %dma_wait3A_120[%dma_wait3A_121, %dma_wait3A_122] : memref<64x128xf32, #tpu.memory_space<vmem_shared>> -> memref<64x128xf32, #tpu.memory_space<vmem_shared>>
        tpu.wait_indirect_dma semaphore(%arg14 : memref<!tpu.dma_semaphore, #tpu.memory_space<semaphore_mem>>) src(%dma_wait3A_116 : memref<16x128xf32, #tpu.memory_space<vmem>>) dst(%dma_wait3A_123 : memref<64x128xf32, #tpu.memory_space<vmem_shared>>)
        %dma_wait3A_124 = arith.constant 0 : i32
        %dma_wait3A_125 = arith.constant 0 : i32
        %dma_wait3A_126 = tpu.memref_slice %arg9[%dma_wait3A_124, %dma_wait3A_125] : memref<160x128xf32, #tpu.memory_space<vmem>> -> memref<16x128xf32, #tpu.memory_space<vmem>>
        %dma_wait3A_127 = arith.constant 0 : i32
        %dma_wait3A_128 = arith.constant 0 : i32
        %dma_wait3A_129 = tpu.memref_slice %arg11[%arg1, %dma_wait3A_127, %dma_wait3A_128] : memref<16x64x128xf32, #tpu.memory_space<vmem_shared>> -> memref<1x64x128xf32, #tpu.memory_space<vmem_shared>>
        %dma_wait3A_130 = tpu.memref_squeeze %dma_wait3A_129 : memref<1x64x128xf32, #tpu.memory_space<vmem_shared>> -> memref<64x128xf32, #tpu.memory_space<vmem_shared>>
        %dma_wait3A_131 = arith.constant 0 : i32
        %dma_wait3A_132 = arith.constant 0 : i32
        %dma_wait3A_133 = tpu.memref_slice %dma_wait3A_130[%dma_wait3A_131, %dma_wait3A_132] : memref<64x128xf32, #tpu.memory_space<vmem_shared>> -> memref<64x128xf32, #tpu.memory_space<vmem_shared>>
        tpu.wait_indirect_dma semaphore(%arg14 : memref<!tpu.dma_semaphore, #tpu.memory_space<semaphore_mem>>) src(%dma_wait3A_126 : memref<16x128xf32, #tpu.memory_space<vmem>>) dst(%dma_wait3A_133 : memref<64x128xf32, #tpu.memory_space<vmem_shared>>)
        %dma_wait3A_134 = arith.constant 0 : i32
        %dma_wait3A_135 = arith.constant 0 : i32
        %dma_wait3A_136 = tpu.memref_slice %arg9[%dma_wait3A_134, %dma_wait3A_135] : memref<160x128xf32, #tpu.memory_space<vmem>> -> memref<16x128xf32, #tpu.memory_space<vmem>>
        %dma_wait3A_137 = arith.constant 0 : i32
        %dma_wait3A_138 = arith.constant 0 : i32
        %dma_wait3A_139 = tpu.memref_slice %arg11[%arg1, %dma_wait3A_137, %dma_wait3A_138] : memref<16x64x128xf32, #tpu.memory_space<vmem_shared>> -> memref<1x64x128xf32, #tpu.memory_space<vmem_shared>>
        %dma_wait3A_140 = tpu.memref_squeeze %dma_wait3A_139 : memref<1x64x128xf32, #tpu.memory_space<vmem_shared>> -> memref<64x128xf32, #tpu.memory_space<vmem_shared>>
        %dma_wait3A_141 = arith.constant 0 : i32
        %dma_wait3A_142 = arith.constant 0 : i32
        %dma_wait3A_143 = tpu.memref_slice %dma_wait3A_140[%dma_wait3A_141, %dma_wait3A_142] : memref<64x128xf32, #tpu.memory_space<vmem_shared>> -> memref<64x128xf32, #tpu.memory_space<vmem_shared>>
        tpu.wait_indirect_dma semaphore(%arg14 : memref<!tpu.dma_semaphore, #tpu.memory_space<semaphore_mem>>) src(%dma_wait3A_136 : memref<16x128xf32, #tpu.memory_space<vmem>>) dst(%dma_wait3A_143 : memref<64x128xf32, #tpu.memory_space<vmem_shared>>)
        %dma_wait3A_144 = arith.constant 0 : i32
        %dma_wait3A_145 = arith.constant 0 : i32
        %dma_wait3A_146 = tpu.memref_slice %arg9[%dma_wait3A_144, %dma_wait3A_145] : memref<160x128xf32, #tpu.memory_space<vmem>> -> memref<16x128xf32, #tpu.memory_space<vmem>>
        %dma_wait3A_147 = arith.constant 0 : i32
        %dma_wait3A_148 = arith.constant 0 : i32
        %dma_wait3A_149 = tpu.memref_slice %arg11[%arg1, %dma_wait3A_147, %dma_wait3A_148] : memref<16x64x128xf32, #tpu.memory_space<vmem_shared>> -> memref<1x64x128xf32, #tpu.memory_space<vmem_shared>>
        %dma_wait3A_150 = tpu.memref_squeeze %dma_wait3A_149 : memref<1x64x128xf32, #tpu.memory_space<vmem_shared>> -> memref<64x128xf32, #tpu.memory_space<vmem_shared>>
        %dma_wait3A_151 = arith.constant 0 : i32
        %dma_wait3A_152 = arith.constant 0 : i32
        %dma_wait3A_153 = tpu.memref_slice %dma_wait3A_150[%dma_wait3A_151, %dma_wait3A_152] : memref<64x128xf32, #tpu.memory_space<vmem_shared>> -> memref<64x128xf32, #tpu.memory_space<vmem_shared>>
        tpu.wait_indirect_dma semaphore(%arg14 : memref<!tpu.dma_semaphore, #tpu.memory_space<semaphore_mem>>) src(%dma_wait3A_146 : memref<16x128xf32, #tpu.memory_space<vmem>>) dst(%dma_wait3A_153 : memref<64x128xf32, #tpu.memory_space<vmem_shared>>)
        %dma_wait3A_154 = arith.constant 0 : i32
        %dma_wait3A_155 = arith.constant 0 : i32
        %dma_wait3A_156 = tpu.memref_slice %arg9[%dma_wait3A_154, %dma_wait3A_155] : memref<160x128xf32, #tpu.memory_space<vmem>> -> memref<16x128xf32, #tpu.memory_space<vmem>>
        %dma_wait3A_157 = arith.constant 0 : i32
        %dma_wait3A_158 = arith.constant 0 : i32
        %dma_wait3A_159 = tpu.memref_slice %arg11[%arg1, %dma_wait3A_157, %dma_wait3A_158] : memref<16x64x128xf32, #tpu.memory_space<vmem_shared>> -> memref<1x64x128xf32, #tpu.memory_space<vmem_shared>>
        %dma_wait3A_160 = tpu.memref_squeeze %dma_wait3A_159 : memref<1x64x128xf32, #tpu.memory_space<vmem_shared>> -> memref<64x128xf32, #tpu.memory_space<vmem_shared>>
        %dma_wait3A_161 = arith.constant 0 : i32
        %dma_wait3A_162 = arith.constant 0 : i32
        %dma_wait3A_163 = tpu.memref_slice %dma_wait3A_160[%dma_wait3A_161, %dma_wait3A_162] : memref<64x128xf32, #tpu.memory_space<vmem_shared>> -> memref<64x128xf32, #tpu.memory_space<vmem_shared>>
        tpu.wait_indirect_dma semaphore(%arg14 : memref<!tpu.dma_semaphore, #tpu.memory_space<semaphore_mem>>) src(%dma_wait3A_156 : memref<16x128xf32, #tpu.memory_space<vmem>>) dst(%dma_wait3A_163 : memref<64x128xf32, #tpu.memory_space<vmem_shared>>)
        %dma_wait3A_164 = arith.constant 0 : i32
        %dma_wait3A_165 = arith.constant 0 : i32
        %dma_wait3A_166 = tpu.memref_slice %arg9[%dma_wait3A_164, %dma_wait3A_165] : memref<160x128xf32, #tpu.memory_space<vmem>> -> memref<16x128xf32, #tpu.memory_space<vmem>>
        %dma_wait3A_167 = arith.constant 0 : i32
        %dma_wait3A_168 = arith.constant 0 : i32
        %dma_wait3A_169 = tpu.memref_slice %arg11[%arg1, %dma_wait3A_167, %dma_wait3A_168] : memref<16x64x128xf32, #tpu.memory_space<vmem_shared>> -> memref<1x64x128xf32, #tpu.memory_space<vmem_shared>>
        %dma_wait3A_170 = tpu.memref_squeeze %dma_wait3A_169 : memref<1x64x128xf32, #tpu.memory_space<vmem_shared>> -> memref<64x128xf32, #tpu.memory_space<vmem_shared>>
        %dma_wait3A_171 = arith.constant 0 : i32
        %dma_wait3A_172 = arith.constant 0 : i32
        %dma_wait3A_173 = tpu.memref_slice %dma_wait3A_170[%dma_wait3A_171, %dma_wait3A_172] : memref<64x128xf32, #tpu.memory_space<vmem_shared>> -> memref<64x128xf32, #tpu.memory_space<vmem_shared>>
        tpu.wait_indirect_dma semaphore(%arg14 : memref<!tpu.dma_semaphore, #tpu.memory_space<semaphore_mem>>) src(%dma_wait3A_166 : memref<16x128xf32, #tpu.memory_space<vmem>>) dst(%dma_wait3A_173 : memref<64x128xf32, #tpu.memory_space<vmem_shared>>)
      } else {
      }
    }
    %scan3A_21 = arith.constant 10 : i32
    "tpu.region"() ({
      %run_scoped3A = tpu.sem_alloc : memref<!tpu.dma_semaphore, #tpu.memory_space<semaphore_mem>>
      %dma_start3A = arith.constant 0 : i32
      %dma_start3A_22 = arith.constant 0 : i32
      %dma_start3A_23 = tpu.memref_slice %arg5[%add3A, %dma_start3A, %dma_start3A_22] : memref<32x64x128xf32, #tpu.memory_space<hbm>> -> memref<1x64x128xf32, #tpu.memory_space<hbm>>
      %dma_start3A_24 = tpu.memref_squeeze %dma_start3A_23 : memref<1x64x128xf32, #tpu.memory_space<hbm>> -> memref<64x128xf32, #tpu.memory_space<hbm>>
      %dma_start3A_25 = arith.constant 0 : i32
      %dma_start3A_26 = arith.constant 0 : i32
      %dma_start3A_27 = tpu.memref_slice %arg11[%arg1, %dma_start3A_25, %dma_start3A_26] : memref<16x64x128xf32, #tpu.memory_space<vmem_shared>> -> memref<1x64x128xf32, #tpu.memory_space<vmem_shared>>
      %dma_start3A_28 = tpu.memref_squeeze %dma_start3A_27 : memref<1x64x128xf32, #tpu.memory_space<vmem_shared>> -> memref<64x128xf32, #tpu.memory_space<vmem_shared>>
      tpu.enqueue_dma source(%dma_start3A_28 : memref<64x128xf32, #tpu.memory_space<vmem_shared>>) target(%dma_start3A_24 : memref<64x128xf32, #tpu.memory_space<hbm>>) target_semaphore(%run_scoped3A : memref<!tpu.dma_semaphore, #tpu.memory_space<semaphore_mem>>)
      %dma_wait3A = arith.constant 0 : i32
      %dma_wait3A_29 = arith.constant 0 : i32
      %dma_wait3A_30 = tpu.memref_slice %arg5[%add3A, %dma_wait3A, %dma_wait3A_29] : memref<32x64x128xf32, #tpu.memory_space<hbm>> -> memref<1x64x128xf32, #tpu.memory_space<hbm>>
      %dma_wait3A_31 = tpu.memref_squeeze %dma_wait3A_30 : memref<1x64x128xf32, #tpu.memory_space<hbm>> -> memref<64x128xf32, #tpu.memory_space<hbm>>
      %dma_wait3A_32 = arith.constant 0 : i32
      %dma_wait3A_33 = arith.constant 0 : i32
      %dma_wait3A_34 = tpu.memref_slice %arg11[%arg1, %dma_wait3A_32, %dma_wait3A_33] : memref<16x64x128xf32, #tpu.memory_space<vmem_shared>> -> memref<1x64x128xf32, #tpu.memory_space<vmem_shared>>
      %dma_wait3A_35 = tpu.memref_squeeze %dma_wait3A_34 : memref<1x64x128xf32, #tpu.memory_space<vmem_shared>> -> memref<64x128xf32, #tpu.memory_space<vmem_shared>>
      tpu.wait_dma2 semaphore(%run_scoped3A : memref<!tpu.dma_semaphore, #tpu.memory_space<semaphore_mem>>) src(%dma_wait3A_35 : memref<64x128xf32, #tpu.memory_space<vmem_shared>>) dst(%dma_wait3A_31 : memref<64x128xf32, #tpu.memory_space<hbm>>)
      tpu.yield
    }) : () -> ()
    "tpu.region"() ({
      %run_scoped3A = tpu.sem_alloc : memref<!tpu.dma_semaphore, #tpu.memory_space<semaphore_mem>>
      %dma_start3A = arith.constant 0 : i32
      %dma_start3A_22 = tpu.memref_slice %arg6[%add3A, %dma_start3A] : memref<32x64xf32, #tpu.memory_space<hbm>> -> memref<1x64xf32, #tpu.memory_space<hbm>>
      %dma_start3A_23 = tpu.memref_squeeze %dma_start3A_22 : memref<1x64xf32, #tpu.memory_space<hbm>> -> memref<64xf32, #tpu.memory_space<hbm>>
      %dma_start3A_24 = arith.constant 0 : i32
      %dma_start3A_25 = tpu.memref_slice %arg6[%add3A, %dma_start3A_24] : memref<32x64xf32, #tpu.memory_space<hbm>> -> memref<1x64xf32, #tpu.memory_space<hbm>>
      %dma_start3A_26 = tpu.memref_squeeze %dma_start3A_25 : memref<1x64xf32, #tpu.memory_space<hbm>> -> memref<64xf32, #tpu.memory_space<hbm>>
      tpu.enqueue_dma source(%arg10 : memref<64xf32, #tpu.memory_space<vmem>>) target(%dma_start3A_26 : memref<64xf32, #tpu.memory_space<hbm>>) target_semaphore(%run_scoped3A : memref<!tpu.dma_semaphore, #tpu.memory_space<semaphore_mem>>)
      %dma_wait3A = arith.constant 0 : i32
      %dma_wait3A_27 = tpu.memref_slice %arg6[%add3A, %dma_wait3A] : memref<32x64xf32, #tpu.memory_space<hbm>> -> memref<1x64xf32, #tpu.memory_space<hbm>>
      %dma_wait3A_28 = tpu.memref_squeeze %dma_wait3A_27 : memref<1x64xf32, #tpu.memory_space<hbm>> -> memref<64xf32, #tpu.memory_space<hbm>>
      %dma_wait3A_29 = arith.constant 0 : i32
      %dma_wait3A_30 = tpu.memref_slice %arg6[%add3A, %dma_wait3A_29] : memref<32x64xf32, #tpu.memory_space<hbm>> -> memref<1x64xf32, #tpu.memory_space<hbm>>
      %dma_wait3A_31 = tpu.memref_squeeze %dma_wait3A_30 : memref<1x64xf32, #tpu.memory_space<hbm>> -> memref<64xf32, #tpu.memory_space<hbm>>
      tpu.wait_dma2 semaphore(%run_scoped3A : memref<!tpu.dma_semaphore, #tpu.memory_space<semaphore_mem>>) src(%arg10 : memref<64xf32, #tpu.memory_space<vmem>>) dst(%dma_wait3A_31 : memref<64xf32, #tpu.memory_space<hbm>>)
      tpu.yield
    }) : () -> ()
    return
  }
}

module attributes {stable_mosaic.version = 14 : i64} {
  func.func @_finalize_body(%arg0: memref<32x64x128xf32, #tpu.memory_space<vmem>>, %arg1: memref<32x64xf32, #tpu.memory_space<vmem>>, %arg2: memref<64x128xf32, #tpu.memory_space<vmem>>, %arg3: memref<64xf32, #tpu.memory_space<vmem>>) attributes {dimension_semantics = [], scalar_prefetch = 0 : i64, scratch_operands = 0 : i64, tpu.core_type = #tpu.core_type<tc>} {
    %get3A = arith.constant 0 : index
    %get3A_0 = arith.constant 0 : index
    %get3A_1 = arith.constant 0 : index
    %get3A_2 = vector.load %arg0[%get3A, %get3A_0, %get3A_1] : memref<32x64x128xf32, #tpu.memory_space<vmem>>, vector<32x64x128xf32>
    %reduce_sum3A = arith.constant dense<0.000000e+00> : vector<64x128xf32>
    %reduce_sum3A_3 = vector.multi_reduction <add>, %get3A_2, %reduce_sum3A [0] : vector<32x64x128xf32> to vector<64x128xf32>
    %get3A_4 = arith.constant 0 : index
    %get3A_5 = arith.constant 0 : index
    %get3A_6 = vector.load %arg1[%get3A_4, %get3A_5] : memref<32x64xf32, #tpu.memory_space<vmem>>, vector<32x64xf32>
    %reduce_sum3A_7 = arith.constant dense<0.000000e+00> : vector<64xf32>
    %reduce_sum3A_8 = vector.multi_reduction <add>, %get3A_6, %reduce_sum3A_7 [0] : vector<32x64xf32> to vector<64xf32>
    %max3A = arith.constant 1.000000e+00 : f32
    %max3A_9 = vector.broadcast %max3A : f32 to vector<64xf32>
    %max3A_10 = arith.maximumf %reduce_sum3A_8, %max3A_9 : vector<64xf32>
    %broadcast_in_dim3A = vector.shape_cast %max3A_10 : vector<64xf32> to vector<64x1xf32>
    %div3A = vector.broadcast %broadcast_in_dim3A : vector<64x1xf32> to vector<64x128xf32>
    %div3A_11 = arith.divf %reduce_sum3A_3, %div3A : vector<64x128xf32>
    %get3A_12 = arith.constant 0 : index
    %get3A_13 = arith.constant 0 : index
    %get3A_14 = vector.load %arg2[%get3A_12, %get3A_13] : memref<64x128xf32, #tpu.memory_space<vmem>>, vector<64x128xf32>
    %sub3A = arith.subf %get3A_14, %div3A_11 : vector<64x128xf32>
    %mul3A = arith.mulf %sub3A, %sub3A : vector<64x128xf32>
    %reduce_sum3A_15 = arith.constant dense<0.000000e+00> : vector<64xf32>
    %reduce_sum3A_16 = vector.multi_reduction <add>, %mul3A, %reduce_sum3A_15 [1] : vector<64x128xf32> to vector<64xf32>
    %sqrt3A = math.sqrt %reduce_sum3A_16 : vector<64xf32>
    %gt3A = arith.constant 0.000000e+00 : f32
    %gt3A_17 = vector.broadcast %gt3A : f32 to vector<64xf32>
    %gt3A_18 = arith.cmpf ogt, %reduce_sum3A_8, %gt3A_17 : vector<64xf32>
    %jit3A = arith.constant 0.000000e+00 : f32
    %broadcast_in_dim3A_19 = vector.broadcast %jit3A : f32 to vector<64xf32>
    %select_n3A = arith.select %gt3A_18, %sqrt3A, %broadcast_in_dim3A_19 : vector<64xi1>, vector<64xf32>
    %swap3A = arith.constant 0 : index
    %swap3A_20 = vector.load %arg3[%swap3A] : memref<64xf32, #tpu.memory_space<vmem>>, vector<64xf32>
    tpu.vector_store %arg3[%swap3A], %select_n3A {strides = array<i32>} : memref<64xf32, #tpu.memory_space<vmem>>, vector<64xf32>,
    return
  }
}

</mosaic_0001>

<sc_bundles>
// kernel: kernel.4.cloned.1.call-start
scs
__scs_entry_jumppad:
0x0: {  	(pc) =	sbr.rel $0x88, $3  }
0x1: {  	(tag) =	ssettag $0x0;
	lr =	simm.s32 $0x1  }
0x2: {  	[smem:$0x3F9E] =	sst lr;
	_ =	strace $0xD0000000  }
0x3: {  	_ = 	snop  }
0x4: {  	_ = 	snop  }
0x5: {  	_ = 	snop  }
0x6: {  	_ = 	snop  }
0x7: {  	_ = 	snop  }
__scs_overlays_trampoline_lowered:
0x8: {  	[smem:$0x3FAD] =	sst s0  }
0x9: {  	[smem:$0x3FAE] =	sst s1  }
0xa: {  	[smem:$0x3FAF] =	sst s2  }
0xb: {  	[smem:$0x3FB0] =	sst s3  }
0xc: {  	[smem:$0x3FB1] =	sst s4  }
0xd: {  	[smem:$0x3FB2] =	sst s5  }
0xe: {  	[smem:$0x3FB3] =	sst s6  }
0xf: {  	[smem:$0x3FB4] =	sst s7  }
0x10: {  	[smem:$0x3FB5] =	sst s8  }
0x11: {  	[smem:$0x3FB6] =	sst s9;
	s0 =	simm.s32 @!p0 $0x0  }
0x12: {  	s1 =	sld [smem:$0x3F9C];
	s0 =	simm.s32 @p0 $0x1  }
0x13: {  	[smem:$0x3FB7] =	sst s0;
	s0 =	simm.s32 @!p1 $0x0  }
0x14: {  	s2 =	sld [smem:$0x3F9B];
	s0 =	simm.s32 @p1 $0x1  }
0x15: {  	[smem:$0x3FB8] =	sst s0;
	s0 =	simm.s32 @!p2 $0x0  }
0x16: {  	s3 =	sld [smem:$0x3FDB];
	s0 =	simm.s32 @p2 $0x1  }
0x17: {  	s4 =	simm.s32 $0x1BF5;
	[smem:$0x3FBA] =	sst s0  }
0x18: {  	s0 =	sld [smem:$0x3F9D];
	_ =	swait.ge [sflag:s4], $0x0  }
0x19: {  	s7 =	sld [smem:$0x3F9E]  }
0x1a: {  	s8 =	sadd.s32 $0xFFFFE003, lr  }
0x1b: {  	s9 =	sadd.s32 $0xFFFFFEF7, lr;
	s5 =	simm.s32 $0xFFFFFFFF;
	p2 =	slt.u32 s8, $0xFFFFF086  }
0x1c: {  	p1 =	slt.u32 s9, $0xF7A;
	s5 =	simm.s32 @!p2 $0x0  }
0x1d: {  	s5 =	simm.s32 @p1 $0x1;
	p0 =	seq.s32 s7, s2  }
0x1e: {  	s7 =	smul.u32 @!p0 $0xF7A, s2;
	p2 =	seq.s32 @!p0 s5, $0x0  }
0x1f: {  	s9 =	smul.u32 $0xF7A, s1;
	s8 =	simm.s32 @!p0 $0x1BF5;
	p2 =	por !p2, p0  }
0x20: {  	[sflag:s8] =	ssyncset.s32 @!p0 $0xFFFFF086;
	s6 =	sadd.s32 @!p0 s3, s7;
	s7 =	simm.s32 @!p0 $0x108  }
0x21: {  	s3 =	sadd.s32 s3, s9;
	s6 =	sadd.s32 @!p0 $0x88, s6;
	s7 =	simm.s32 @p2 $0x1082  }
0x22: {  	[simem:s7], [sflag:s8] =	dma.local @!p0 [hbm:s6], $0xF7A  }
0x23: {  	s9 =	sor.u32 $0xD0000000, s2;
	s6 =	simm.s32 $0x108;
	_ =	swait.ge @!p0 [sflag:s8], $0x0  }
0x24: {  	s3 =	sadd.s32 $0x88, s3;
	s6 =	simm.s32 @!p1 $0x1082;
	[sflag:s4] =	ssyncset.s32 $0xFFFFF086  }
0x25: {  	[simem:s6], [sflag:s4] =	dma.local [hbm:s3], $0xF7A  }
0x26: {  	[smem:$0x3F9E] =	sst s1;
	(tag) =	ssettag s2;
	_ =	strace s9  }
0x27: {  	s1 =	sld [smem:$0x3FAE]  }
0x28: {  	s2 =	sld [smem:$0x3FAF]  }
0x29: {  	s4 =	sld [smem:$0x3FB1]  }
0x2a: {  	p0 =	seq.s32 s5, $0x0;
	s5 =	sld [smem:$0x3FB2]  }
0x2b: {  	s6 =	sld [smem:$0x3FB3]  }
0x2c: {  	s7 =	sld [smem:$0x3FB4]  }
0x2d: {  	s3 =	simm.s32 $0x108;
	s8 =	sld [smem:$0x3FB5]  }
0x2e: {  	s3 =	simm.s32 @!p0 $0x1082;
	s9 =	sld [smem:$0x3FB6]  }
0x2f: {  	lr =	sadd.s32 s0, s3;
	s0 =	sld [smem:$0x3FAD]  }
0x30: {  	s3 =	sld [smem:$0x3FB0]  }
0x31: {  	[smem:$0x3FB9] =	sst s10  }
0x32: {  	s10 =	sld [smem:$0x3FB7];
	_ =	sdelay $0x3  }
0x33: {  	p0 =	seq.s32 s10, $0x1;
	s10 =	sld [smem:$0x3FB9];
	_ =	sdelay $0x3  }
0x34: {  	[smem:$0x3FB9] =	sst s10  }
0x35: {  	s10 =	sld [smem:$0x3FB8];
	_ =	sdelay $0x3  }
0x36: {  	p1 =	seq.s32 s10, $0x1;
	s10 =	sld [smem:$0x3FB9];
	_ =	sdelay $0x3  }
0x37: {  	[smem:$0x3FB9] =	sst s10  }
0x38: {  	s10 =	sld [smem:$0x3FBA]  }
0x39: {  	_ = 	snop;
	(pc) =	sbr.ind lr, $3  }
0x3a: {  	_ = 	snop  }
0x3b: {  	_ = 	snop  }
0x3c: {  	p2 =	seq.s32 s10, $0x1;
	s10 =	sld [smem:$0x3FB9]  }
0x3d: {  	_ =	shalt  }
0x3e: {  	_ =	shalt  }
0x3f: {  	_ =	shalt  }
0x40: {  	_ =	shalt  }
0x41: {  	_ =	shalt  }
0x42: {  	_ =	shalt  }
0x43: {  	_ =	shalt  }
0x44: {  	_ =	shalt  }
0x45: {  	_ =	shalt  }
0x46: {  	_ =	shalt  }
0x47: {  	_ =	shalt  }
0x48: {  	_ =	shalt  }
0x49: {  	_ =	shalt  }
0x4a: {  	_ =	shalt  }
0x4b: {  	_ =	shalt  }
0x4c: {  	_ =	shalt  }
0x4d: {  	_ =	shalt  }
0x4e: {  	_ =	shalt  }
0x4f: {  	_ =	shalt  }
0x50: {  	_ =	shalt  }
0x51: {  	_ =	shalt  }
0x52: {  	_ =	shalt  }
0x53: {  	_ =	shalt  }
0x54: {  	_ =	shalt  }
0x55: {  	_ =	shalt  }
0x56: {  	_ =	shalt  }
0x57: {  	_ =	shalt  }
0x58: {  	_ =	shalt  }
0x59: {  	_ =	shalt  }
0x5a: {  	_ =	shalt  }
0x5b: {  	_ =	shalt  }
0x5c: {  	_ =	shalt  }
0x5d: {  	_ =	shalt  }
0x5e: {  	_ =	shalt  }
0x5f: {  	_ =	shalt  }
0x60: {  	_ =	shalt  }
0x61: {  	_ =	shalt  }
0x62: {  	_ =	shalt  }
0x63: {  	_ =	shalt  }
0x64: {  	_ =	shalt  }
0x65: {  	_ =	shalt  }
0x66: {  	_ =	shalt  }
0x67: {  	_ =	shalt  }
0x68: {  	_ =	shalt  }
0x69: {  	_ =	shalt  }
0x6a: {  	_ =	shalt  }
0x6b: {  	_ =	shalt  }
0x6c: {  	_ =	shalt  }
0x6d: {  	_ =	shalt  }
0x6e: {  	_ =	shalt  }
0x6f: {  	_ =	shalt  }
0x70: {  	_ =	shalt  }
0x71: {  	_ =	shalt  }
0x72: {  	_ =	shalt  }
0x73: {  	_ =	shalt  }
0x74: {  	_ =	shalt  }
0x75: {  	_ =	shalt  }
0x76: {  	_ =	shalt  }
0x77: {  	_ =	shalt  }
0x78: {  	_ =	shalt  }
0x79: {  	_ =	shalt  }
0x7a: {  	_ =	shalt  }
0x7b: {  	_ =	shalt  }
0x7c: {  	_ =	shalt  }
0x7d: {  	_ =	shalt  }
0x7e: {  	_ =	shalt  }
0x7f: {  	_ =	shalt  }
0x80: {  	_ =	shalt  }
0x81: {  	_ =	shalt  }
0x82: {  	_ =	shalt  }
0x83: {  	_ =	shalt  }
0x84: {  	_ =	shalt  }
0x85: {  	_ =	shalt  }
0x86: {  	_ =	shalt  }
0x87: {  	_ =	shalt  }
.Lfunc_end0:
.L_simem_size_0:
called_computation_lowered:
.L_overlay_start_0:
0x88: {  	s2 =	sld [smem:$0x3FD9]  }
0x89: {  	s3 =	sld [smem:$0x3FFE];
	_ =	sdelay $0x1  }
0x8a: {  	s1 =	srdreg.scid  }
0x8b: {  	s0 =	sand.u32 $0x1, s1  }
0x8c: {  	s17 =	sshll.u32 s0, $0xA;
	s2 =	sadd.s32 s3, s2  }
0x8d: {  	s2 =	sadd.s32 s2, s17  }
0x8e: {  	[smem:$0x3FC5] =	sst s2  }
0x8f: {  	_ = 	snop  }
0x90: {  	s2 =	sld [smem:$0x3FC9];
	(tm) =	ssettm $0x1  }
0x91: {  	s18 =	sld [smem:$0x3FFB];
	_ =	sdelay $0x3  }
0x92: {  	_ =	strace s18  }
0x93: {  	s3 =	sld [smem:$0x3FFC];
	_ =	sdelay $0x3  }
0x94: {  	_ =	strace s3  }
0x95: {  	s3 =	sld [smem:$0x3FFD];
	_ =	sdelay $0x3  }
0x96: {  	_ =	strace s3  }
0x97: {  	_ =	strace $0x8FFFFFFF  }
0x98: {  	s19 =	sld [smem:$0x3FDB];
	_ =	sdelay $0x1  }
0x99: {  	s4 =	simm.s32 $_scs_section_size  }
0x9a: {  	s5 =	simm.s32 $_size__tile_overlayer_lowered;
	s6 =	simm.s32 $_tile_overlayer_lowered  }
0x9b: {  	s22 =	simm.s32 $0x1BFF;
	s21 =	sshll.u32 s6, $0x1;
	s3 =	sadd.s32 s4, s19  }
0x9c: {  	s7 =	simm.s32 $0x0;
	s20 =	sshll.u32 s5, $0x1;
	s5 =	sadd.s32 s21, s3  }
0x9d: {  	[timem:s7], [sflag:s22] =	dma.local [hbm:s5], s20  }
0x9e: {  	_ =	swait.ge [sflag:s22], s20  }
0x9f: {  	s4 =	ssub.s32 $0x0, s20;
	[sflag:s22] =	ssyncset.done $0x0  }
0xa0: {  	[sflag:s22] =	ssyncadd.s32 s4;
	_ =	sdelay $0x1  }
0xa1: {  	s23 =	simm.s32 $0x1B8B  }
0xa2: {  	_ =	swait.ge [sflag:s23], $0x1  }
0xa3: {  	[sflag:s23] =	ssyncset.done $0x0  }
0xa4: {  	s25 =	simm.s32 $0x1B8E;
	s24 =	sld [smem:$0x3FFE];
	[sflag:s23] =	ssyncadd.s32 $0xFFFFFFFF  }
0xa5: {  	s26 =	simm.s32 $execute0_lowered;
	[smem:$0x3FD2] =	sst s25  }
0xa6: {  	s5 =	sshll.u32 s26, $0x1;
	_ =	strace $0x80000046;
	[dreg:$0x1] =	wrdreg $0xFFFFFFFF  }
0xa7: {  	s28 =	simm.s32 $_size_execute0_lowered;
	s3 =	sadd.s32 s3, s5;
	[dreg:$0x0] =	wrdreg $0x0  }
0xa8: {  	s5 =	sshll.u32 s28, $0x1;
	[dreg:$0x2] =	wrdreg s3  }
0xa9: {  	[dreg:$0x3] =	wrdreg s5  }
0xaa: {  	[dreg:$0x4] =	wrdreg $0xC0  }
0xab: {  	_ =	task [dreg:s7], $0x5FFFF  }
0xac: {  	[dreg:$0x1] =	wrdreg $0xFFFFFFFF  }
0xad: {  	[dreg:$0x0] =	wrdreg $0x60  }
0xae: {  	[dreg:$0x2] =	wrdreg s2  }
0xaf: {  	[dreg:$0x3] =	wrdreg s24  }
0xb0: {  	[dreg:$0x4] =	wrdreg $0xF0800  }
0xb1: {  	[dreg:$0x5] =	wrdreg $0x9  }
0xb2: {  	_ =	task.clear_ibuf [dreg:s7], $0x6FFFF;
	_ =	strace $0x90000046  }
0xb3: {  	s29 =	simm.s32 $0x9;
	_ =	strace $0x80000048  }
0xb4: {  	_ =	swait.ge [sflag:s29], $0x1  }
0xb5: {  	[sflag:s29] =	ssyncadd.s32 $0xFFFFFFFF  }
0xb6: {  	_ =	strace $0x90000048  }
0xb7: {  	_ =	sfence  }
0xb8: {  	s30 =	sld [smem:$0x0];
	_ =	sdelay $0x2  }
0xb9: {  	s31 =	sshll.u32 s1, $0xD;
	s1 =	sshrl.u32 s1, $0x2  }
0xba: {  	s3 =	sand.u32 $0x4000, s31;
	s1 =	sadd.s32 s1, s30  }
0xbb: {  	s0 =	sor.u32 s3, s0;
	s1 =	sshll.u32 s1, $0x11  }
0xbc: {  	s0 =	sor.u32 s1, s0  }
0xbd: {  	s0 =	sadd.s32 $0x8F2B, s0  }
0xbe: {  	[sflag:s0] =	ssyncadd.remote.s32 $0x1  }
0xbf: {  	_ =	sfence.sel $0xFFFF  }
0xc0: {  	[dreg:$0x0] =	wrdreg $0xFFFFFFFF;
	(pc) =	sbr.abs _section_cstart, $3  }
0xc1: {  	[dreg:$0x1] =	wrdreg $0xFFFFFFFF  }
0xc2: {  	_ =	task.clear_ibuf [dreg:s7], $0x2FFFF;
	_ =	strace $0x9FFFFFFF  }
0xc3: {  	(tm) =	ssettm $0x7FFFFFFF  }
tec
execute0_lowered:
.L_overlay_start_1:
0x0: {  	(tag) =	ssettag $0x1  }
0x1: {  	s1 =	rddreg [dreg:$0x0]  }
0x2: {  	s7 =	rddreg [dreg:$0x1]  }
0x3: {  	s8 =	rddreg [dreg:$0x2]  }
0x4: {  	s0 =	rddreg [dreg:$0x3]  }
0x5: {  	s3 =	simm.s32 $0x0;
	s4 =	srdreg.scid;
	s2 =	stileid.u32  }
0x6: {  	s15 =	simm.s32 $0x4;
	s16 =	simm.s32 $0x5000;
	s17 =	simm.s32 $0x1  }
0x7: {  	s18 =	simm.s32 $0xF000;
	s19 =	simm.s32 $0x3;
	s20 =	simm.s32 $0x2  }
0x8: {  	s21 =	simm.s32 $0x0;
	[smem:$0x7FF] =	sst s3;
	s9 =	sand.u32 $0x1, s4  }
0x9: {  	s25 =	sshll.u32 s2, $0x1;
	s5 =	sadd.s32 $0xE00, s7;
	s6 =	sadd.s32 $0x187800, s7  }
0xa: {  	s30 =	sshll.u32 s2, $0xD;
	s31 =	sshll.u32 s2, $0x6;
	s4 =	sor.u32 s9, s25  }
0xb: {  	_ =	strace $0x80000047;
	s9 =	ssub.s32 $0x2, s9;
	s10 =	sshll.u32 s4, $0xA  }
.Ltmp0:
0xc: {  	s26 =	sshll.u32 s4, $0x4;
	s28 =	sshrl.u32 s9, $0x1;
	(pc) =	sbr.rel .LBB2_1-.Ltmp0, $4  }
0xd: {  	s29 =	smul.u32 $0xA00, s4;
	s11 =	sadd.s32 s10, s7;
	s12 =	sadd.s32 s26, s7  }
0xe: {  	s13 =	ssub.s32 s9, s28;
	s7 =	sadd.s32 s30, s8;
	s8 =	sor.u32 $0x1C04, s31  }
0xf: {  	v1 =	vlaneseq.u32;
	v0 =	vimm.f32 $0.0e+00;
	vm0 =	vmmov $0xffff;
	s10 =	sor.u32 $0x40, s4;
	s9 =	sadd.s32 s1, s29;
	s11 =	sadd.s32 $0x187C00, s11  }
0x10: {  	v2 =	vimm.s32 $0x0;
	v3 =	vimm.f32 $1.000000000e+00;
	v1 =	vmul.u32 $0x80, v1;
	s12 =	sadd.s32 $0x18FC00, s12;
	s13 =	smax.u32 s13, $0x1;
	s14 =	sshrl.u32 s7, $0x3  }
.LBB2_9:
0x11: {  	[hbm:s11], [sflag:s8] =	dma.local [spmem:s14], $0x400  }
0x12: {  	s21 =	sadd.s32 $0x1, s21;
	_ =	swait.ge [sflag:s15], $0x400  }
0x13: {  	p0 =	sne.s32 s21, s13;
	[sflag:s15] =	ssyncset.done $0x0  }
.Ltmp1:
0x14: {  	[sflag:s15] =	ssyncadd.s32 $0xFFFFFC00;
	(pc) =	sbr.rel @!p0 .LBB2_10-.Ltmp1, $4  }
0x15: {  	[hbm4b:s12+s3] =	stream.linear.scatter [tilespmem:s18], [sflag:$0x4], $0x80, $0x38;
	[tilespmem:$0x11080] =	vst v63  }
0x16: {  	_ =	swait.ge [sflag:s15], $0x80  }
0x17: {  	[sflag:s15] =	ssyncset.done $0x0  }
0x18: {  	[sflag:s15] =	ssyncadd.s32 $0xFFFFFF80  }
.LBB2_1:
0x19: {  	[spmem:s14], [sflag:s8] =	dma.local [hbm:s6], $0x400  }
0x1a: {  	_ =	swait.ge [sflag:s15], $0x400  }
0x1b: {  	[sflag:s15] =	ssyncset.done $0x0  }
0x1c: {  	[sflag:s15] =	ssyncadd.s32 $0xFFFFFC00  }
.Ltmp2:
0x1d: {  	[tilespmem:$0xF000] =	vst v0;
	(pc) =	sbr.rel .LBB2_2-.Ltmp2, $4  }
0x1e: {  	[tilespmem:$0xF010] =	vst v0  }
0x1f: {  	[tilespmem:$0xF020] =	vst v0  }
0x20: {  	s22 =	simm.s32 $0x0;
	[tilespmem:$0xF030] =	vst v0  }
0x21: {  	[tilespmem:s16], [sflag:$0x1] =	stream.linear.gather [hbm4b:s9+s3], $0x5000, $0x38;
	[tilespmem:$0x11080] =	vst v63  }
.LBB2_8:
0x22: {  	s22 =	sadd.s32 $0x1, s22  }
0x23: {  	p0 =	sne.s32 s22, $0xA  }
.Ltmp3:
0x24: {  	_ = 	snop;
	(pc) =	sbr.rel @!p0 .LBB2_9-.Ltmp3, $1  }
0x25: {  	_ =	sdelay $0x3  }
.LBB2_2:
0x26: {  	s23 =	sshll.u32 s22, $0x6  }
0x27: {  	s24 =	sor.u32 s4, s23  }
0x28: {  	s25 =	smul.u32 $0xA00, s24;
	_ =	sdelay $0x1  }
0x29: {  	s25 =	sadd.s32 s5, s25  }
0x2a: {  	[tilespmem:s3], [sflag:$0x4] =	stream.linear.gather [hbm4b:s25+s3], $0x5000, $0x38;
	[tilespmem:$0x11080] =	vst v63  }
0x2b: {  	_ =	swait.ge [sflag:s15], $0x5000  }
0x2c: {  	s24 =	sor.u32 $0x20, s24;
	[sflag:s15] =	ssyncset.done $0x0  }
0x2d: {  	p0 =	sgt.u32 s24, $0x270;
	[sflag:s15] =	ssyncadd.s32 $0xFFFFB000  }
0x2e: {  	s25 =	smul.u32 @!p0 $0xA00, s24;
	_ =	swait.ge [sflag:s17], $0x5000  }
0x2f: {  	s26 =	simm.s32 @!p0 $0x0;
	[sflag:s17] =	ssyncset.done $0x0  }
0x30: {  	s28 =	simm.s32 @!p0 $0xA000;
	s25 =	sadd.s32 @!p0 s1, s25;
	[sflag:s17] =	ssyncadd.s32 $0xFFFFB000  }
0x31: {  	[tilespmem:s28], [sflag:$0x2] =	stream.linear.gather @!p0 [hbm4b:s25+s26], $0x5000, $0x38;
	[tilespmem:$0x11080] =	vst v63  }
0x32: {  	s25 =	simm.s32 $0x0;
	s26 =	simm.s32 $0x5000  }
.LBB2_3:
0x33: {  	v4 =	vmov s25  }
0x34: {  	v4 =	vshll.u32 v4, $0x7  }
0x35: {  	v4 =	vor.u32 v1, v4  }
0x36: {  	v5 =	vor.u32 $0x10, v4;
	v6 =	vor.u32 $0x20, v4;
	v8 =	vor.u32 $0x30, v4  }
0x37: {  	v9 =	vor.u32 $0x1, v4;
	v10 =	vor.u32 $0x11, v4;
	v11 =	vor.u32 $0x21, v4  }
0x38: {  	v12 =	vor.u32 $0x31, v4;
	v14 =	vor.u32 $0x2, v4;
	v15 =	vor.u32 $0x12, v4  }
0x39: {  	v16 =	vor.u32 $0x22, v4;
	v18 =	vor.u32 $0x32, v4;
	v20 =	vor.u32 $0x3, v4  }
0x3a: {  	v59 =	vor.u32 $0x13, v4;
	v61 =	vor.u32 $0x23, v4;
	v21 =	vor.u32 $0x33, v4;
	v7 =	vld.idx.msk [tilespmem:v4+s3+$0x0], $0xffff  }
0x3b: {  	v24 =	vor.u32 $0x4, v4;
	v25 =	vor.u32 $0x14, v4;
	v26 =	vor.u32 $0x24, v4;
	v5 =	vld.idx.msk [tilespmem:v5+s3+$0x0], $0xffff  }
0x3c: {  	v29 =	vor.u32 $0x34, v4;
	v30 =	vor.u32 $0x5, v4;
	v31 =	vor.u32 $0x15, v4;
	v6 =	vld.idx.msk [tilespmem:v6+s3+$0x0], $0xffff  }
0x3d: {  	v34 =	vor.u32 $0x25, v4;
	v36 =	vor.u32 $0x35, v4;
	v37 =	vor.u32 $0x6, v4;
	v8 =	vld.idx.msk [tilespmem:v8+s3+$0x0], $0xffff  }
0x3e: {  	v39 =	vor.u32 $0x16, v4;
	v41 =	vor.u32 $0x26, v4;
	v42 =	vor.u32 $0x36, v4;
	v9 =	vld.idx.msk [tilespmem:v9+s3+$0x0], $0xffff  }
0x3f: {  	v44 =	vor.u32 $0x7, v4;
	v46 =	vor.u32 $0x17, v4;
	v47 =	vor.u32 $0x27, v4;
	v60 =	vld.idx.msk [tilespmem:v16+s3+$0x0], $0xffff  }
0x40: {  	v49 =	vor.u32 $0x37, v4;
	v51 =	vor.u32 $0x8, v4;
	v52 =	vor.u32 $0x18, v4;
	v16 =	vld.idx.msk [tilespmem:v61+s3+$0x0], $0xffff  }
0x41: {  	v54 =	vor.u32 $0x28, v4;
	v56 =	vor.u32 $0x38, v4;
	v57 =	vor.u32 $0x9, v4;
	v33 =	vld.idx.msk [tilespmem:v26+s3+$0x0], $0xffff  }
0x42: {  	v22 =	vor.u32 $0x1E, v4;
	v23 =	vor.u32 $0xF, v4;
	v35 =	vld.idx.msk [tilespmem:v29+s3+$0x0], $0xffff;
	v61 =	vor.u32 $0x29, v4  }
0x43: {  	v38 =	vld.idx.msk [tilespmem:v31+s3+$0x0], $0xffff;
	v26 =	vor.u32 $0x2A, v4;
	v29 =	vor.u32 $0x3A, v4;
	v31 =	vor.u32 $0x1B, v4  }
0x44: {  	v10 =	vld.idx.msk [tilespmem:v10+s3+$0x0], $0xffff;
	vm1 =	vgt.f32 v7, $-Inf;
	vm2 =	vlt.f32 v5, $-Inf;
	vm3 =	vgt.f32 v5, $-Inf  }
0x45: {  	v11 =	vld.idx.msk [tilespmem:v11+s3+$0x0], $0xffff;
	v7 =	vnsel vm1, $0xFF800000, v7;
	vm1 =	vmor vm3, vm2;
	vm2 =	vgt.f32 v6, $-Inf  }
0x46: {  	v43 =	vld.idx.msk [tilespmem:v37+s3+$0x0], $0xffff;
	v5 =	vnsel vm1, $0xFF800000, v5;
	v13 =	vsel vm1, $0x10, v2;
	vm1 =	vlt.f32 v6, $-Inf  }
0x47: {  	v55 =	vld.idx.msk [tilespmem:v49+s3+$0x0], $0xffff;
	v37 =	vor.u32 $0xC, v4;
	v49 =	vor.u32 $0xE, v4;
	vm1 =	vmor vm2, vm1  }
0x48: {  	v12 =	vld.idx.msk [tilespmem:v12+s3+$0x0], $0xffff;
	vm3 =	vgt.f32 v8, $-Inf;
	vm2 =	vlt.f32 v8, $-Inf;
	v6 =	vnsel vm1, $0xFF800000, v6  }
0x49: {  	v14 =	vld.idx.msk [tilespmem:v14+s3+$0x0], $0xffff;
	vm2 =	vmor vm3, vm2;
	v17 =	vsel vm1, $0x20, v2;
	vm1 =	vgt.f32 v9, v7  }
0x4a: {  	v15 =	vld.idx.msk [tilespmem:v15+s3+$0x0], $0xffff;
	v8 =	vnsel vm2, $0xFF800000, v8;
	v19 =	vsel vm2, $0x30, v2;
	v7 =	vsel vm1, v9, v7  }
0x4b: {  	v18 =	vld.idx.msk [tilespmem:v18+s3+$0x0], $0xffff;
	v58 =	vsel vm1, $0x1, v2;
	vm1 =	vgt.f32 v10, v5;
	vm2 =	vgt.f32 v11, v6  }
0x4c: {  	v63 =	vld.idx.msk [tilespmem:v20+s3+$0x0], $0xffff;
	v5 =	vsel vm1, v10, v5;
	v13 =	vsel vm1, $0x11, v13;
	v6 =	vsel vm2, v11, v6  }
0x4d: {  	v17 =	vsel vm2, $0x21, v17;
	vm1 =	vgt.f32 v12, v8;
	v10 =	vld.idx.msk [tilespmem:v59+s3+$0x0], $0xffff;
	v59 =	vor.u32 $0x19, v4  }
0x4e: {  	v28 =	vld.idx.msk [tilespmem:v21+s3+$0x0], $0xffff;
	v8 =	vsel vm1, v12, v8;
	v62 =	vsel vm1, $0x31, v19;
	vm1 =	vgt.f32 v14, v7  }
0x4f: {  	vm2 =	vgt.f32 v15, v5;
	v19 =	vld.idx.msk [tilespmem:v30+s3+$0x0], $0xffff;
	v30 =	vor.u32 $0xB, v4;
	v7 =	vsel vm1, v14, v7  }
0x50: {  	v9 =	vsel vm1, $0x2, v58;
	v5 =	vsel vm2, v15, v5;
	v13 =	vsel vm2, $0x12, v13;
	v14 =	vld.idx.msk [tilespmem:v24+s3+$0x0], $0xffff  }
0x51: {  	vm1 =	vgt.f32 v60, v6;
	v15 =	vld.idx.msk [tilespmem:v25+s3+$0x0], $0xffff;
	v24 =	vor.u32 $0xA, v4;
	v25 =	vor.u32 $0x1A, v4  }
0x52: {  	v6 =	vsel vm1, v60, v6;
	v27 =	vsel vm1, $0x22, v17;
	vm1 =	vgt.f32 v18, v8  }
0x53: {  	vm2 =	vgt.f32 v63, v7;
	v8 =	vsel vm1, v18, v8;
	v12 =	vsel vm1, $0x32, v62  }
0x54: {  	v7 =	vsel vm2, v63, v7;
	v9 =	vsel vm2, $0x3, v9;
	v62 =	vor.u32 $0x39, v4  }
0x55: {  	v63 =	vld.idx.msk [tilespmem:v57+s3+$0x0], $0xffff;
	v57 =	vor.u32 $0x2F, v4;
	vm1 =	vgt.f32 v10, v5;
	vm2 =	vgt.f32 v28, v8  }
0x56: {  	v5 =	vsel vm1, v10, v5;
	v32 =	vsel vm1, $0x13, v13;
	vm1 =	vgt.f32 v16, v6  }
0x57: {  	v8 =	vsel vm2, v28, v8;
	v12 =	vsel vm2, $0x33, v12;
	v6 =	vsel vm1, v16, v6  }
0x58: {  	v11 =	vsel vm1, $0x23, v27;
	vm1 =	vgt.f32 v14, v7;
	v16 =	vld.idx.msk [tilespmem:v41+s3+$0x0], $0xffff;
	v41 =	vor.u32 $0x3C, v4  }
0x59: {  	v7 =	vsel vm1, v14, v7;
	v9 =	vsel vm1, $0x4, v9;
	vm1 =	vgt.f32 v15, v5  }
0x5a: {  	v40 =	vld.idx.msk [tilespmem:v34+s3+$0x0], $0xffff;
	vm2 =	vgt.f32 v33, v6;
	v5 =	vsel vm1, v15, v5;
	v10 =	vsel vm1, $0x14, v32  }
0x5b: {  	v18 =	vld.idx.msk [tilespmem:v36+s3+$0x0], $0xffff;
	v6 =	vsel vm2, v33, v6;
	v11 =	vsel vm2, $0x24, v11;
	vm1 =	vgt.f32 v35, v8  }
0x5c: {  	v15 =	vld.idx.msk [tilespmem:v46+s3+$0x0], $0xffff;
	v33 =	vor.u32 $0x2B, v4;
	v46 =	vor.u32 $0x2D, v4;
	v8 =	vsel vm1, v35, v8  }
0x5d: {  	v12 =	vsel vm1, $0x34, v12;
	vm1 =	vgt.f32 v19, v7;
	vm2 =	vgt.f32 v38, v5  }
0x5e: {  	v45 =	vld.idx.msk [tilespmem:v39+s3+$0x0], $0xffff;
	v35 =	vor.u32 $0x3B, v4;
	v7 =	vsel vm1, v19, v7;
	v9 =	vsel vm1, $0x5, v9  }
0x5f: {  	v48 =	vld.idx.msk [tilespmem:v42+s3+$0x0], $0xffff;
	v5 =	vsel vm2, v38, v5;
	v10 =	vsel vm2, $0x15, v10;
	vm1 =	vgt.f32 v40, v6  }
0x60: {  	v19 =	vld.idx.msk [tilespmem:v51+s3+$0x0], $0xffff;
	v38 =	vor.u32 $0x1C, v4;
	v51 =	vor.u32 $0x2E, v4;
	v6 =	vsel vm1, v40, v6  }
0x61: {  	v11 =	vsel vm1, $0x25, v11;
	vm1 =	vgt.f32 v18, v8;
	vm2 =	vgt.f32 v43, v7  }
0x62: {  	v50 =	vld.idx.msk [tilespmem:v44+s3+$0x0], $0xffff;
	v40 =	vor.u32 $0x2C, v4;
	v8 =	vsel vm1, v18, v8;
	v12 =	vsel vm1, $0x35, v12  }
0x63: {  	v7 =	vsel vm2, v43, v7;
	v9 =	vsel vm2, $0x6, v9;
	vm1 =	vgt.f32 v45, v5  }
0x64: {  	v53 =	vld.idx.msk [tilespmem:v47+s3+$0x0], $0xffff;
	v43 =	vor.u32 $0xD, v4;
	v5 =	vsel vm1, v45, v5;
	v10 =	vsel vm1, $0x16, v10  }
0x65: {  	vm1 =	vgt.f32 v16, v6;
	vm2 =	vgt.f32 v48, v8;
	v45 =	vor.u32 $0x1D, v4  }
0x66: {  	v6 =	vsel vm1, v16, v6;
	v11 =	vsel vm1, $0x26, v11;
	v8 =	vsel vm2, v48, v8  }
0x67: {  	v58 =	vld.idx.msk [tilespmem:v52+s3+$0x0], $0xffff;
	v12 =	vsel vm2, $0x36, v12;
	vm1 =	vgt.f32 v50, v7;
	v48 =	vor.u32 $0x3D, v4  }
0x68: {  	v7 =	vsel vm1, v50, v7;
	v9 =	vsel vm1, $0x7, v9;
	vm1 =	vgt.f32 v15, v5  }
0x69: {  	v60 =	vld.idx.msk [tilespmem:v54+s3+$0x0], $0xffff;
	vm2 =	vgt.f32 v53, v6;
	v5 =	vsel vm1, v15, v5;
	v10 =	vsel vm1, $0x17, v10  }
0x6a: {  	v34 =	vld.idx.msk [tilespmem:v29+s3+$0x0], $0xffff;
	v6 =	vsel vm2, v53, v6;
	v11 =	vsel vm2, $0x27, v11;
	vm1 =	vgt.f32 v55, v8  }
0x6b: {  	v18 =	vld.idx.msk [tilespmem:v56+s3+$0x0], $0xffff;
	vm2 =	vgt.f32 v19, v7;
	v53 =	vor.u32 $0x3E, v4;
	v8 =	vsel vm1, v55, v8  }
0x6c: {  	v28 =	vld.idx.msk [tilespmem:v24+s3+$0x0], $0xffff;
	v12 =	vsel vm1, $0x37, v12;
	v7 =	vsel vm2, v19, v7;
	vm1 =	vgt.f32 v58, v5  }
0x6d: {  	v15 =	vld.idx.msk [tilespmem:v59+s3+$0x0], $0xffff;
	v9 =	vsel vm2, $0x8, v9;
	v55 =	vor.u32 $0x1F, v4;
	v4 =	vor.u32 $0x3F, v4  }
0x6e: {  	v16 =	vld.idx.msk [tilespmem:v61+s3+$0x0], $0xffff;
	v5 =	vsel vm1, v58, v5;
	v10 =	vsel vm1, $0x18, v10;
	vm1 =	vgt.f32 v60, v6  }
0x6f: {  	v27 =	vld.idx.msk [tilespmem:v62+s3+$0x0], $0xffff;
	vm2 =	vgt.f32 v63, v7;
	v6 =	vsel vm1, v60, v6;
	v11 =	vsel vm1, $0x28, v11  }
0x70: {  	v17 =	vld.idx.msk [tilespmem:v25+s3+$0x0], $0xffff;
	vm1 =	vgt.f32 v18, v8;
	v7 =	vsel vm2, v63, v7;
	v9 =	vsel vm2, $0x9, v9  }
0x71: {  	v32 =	vld.idx.msk [tilespmem:v26+s3+$0x0], $0xffff;
	v8 =	vsel vm1, v18, v8;
	v12 =	vsel vm1, $0x38, v12;
	vm2 =	vgt.f32 v28, v7  }
0x72: {  	v42 =	vld.idx.msk [tilespmem:v37+s3+$0x0], $0xffff;
	vm1 =	vgt.f32 v15, v5;
	v7 =	vsel vm2, v28, v7;
	v9 =	vsel vm2, $0xA, v9  }
0x73: {  	v13 =	vld.idx.msk [tilespmem:v30+s3+$0x0], $0xffff;
	v5 =	vsel vm1, v15, v5;
	v10 =	vsel vm1, $0x19, v10;
	vm1 =	vgt.f32 v16, v6  }
0x74: {  	v36 =	vld.idx.msk [tilespmem:v31+s3+$0x0], $0xffff;
	v6 =	vsel vm1, v16, v6;
	v11 =	vsel vm1, $0x29, v11;
	vm1 =	vgt.f32 v27, v8  }
0x75: {  	v39 =	vld.idx.msk [tilespmem:v33+s3+$0x0], $0xffff;
	v8 =	vsel vm1, v27, v8;
	v12 =	vsel vm1, $0x39, v12;
	vm1 =	vgt.f32 v17, v5  }
0x76: {  	v20 =	vld.idx.msk [tilespmem:v35+s3+$0x0], $0xffff;
	vm2 =	vgt.f32 v32, v6;
	v5 =	vsel vm1, v17, v5;
	v10 =	vsel vm1, $0x1A, v10  }
0x77: {  	v47 =	vld.idx.msk [tilespmem:v41+s3+$0x0], $0xffff;
	v6 =	vsel vm2, v32, v6;
	v11 =	vsel vm2, $0x2A, v11;
	vm1 =	vgt.f32 v34, v8  }
0x78: {  	v44 =	vld.idx.msk [tilespmem:v38+s3+$0x0], $0xffff;
	v8 =	vsel vm1, v34, v8;
	v12 =	vsel vm1, $0x3A, v12;
	vm1 =	vgt.f32 v13, v7  }
0x79: {  	v16 =	vld.idx.msk [tilespmem:v40+s3+$0x0], $0xffff;
	vm2 =	vgt.f32 v36, v5;
	v7 =	vsel vm1, v13, v7;
	v9 =	vsel vm1, $0xB, v9  }
0x7a: {  	v50 =	vld.idx.msk [tilespmem:v45+s3+$0x0], $0xffff;
	v5 =	vsel vm2, v36, v5;
	v10 =	vsel vm2, $0x1B, v10;
	vm1 =	vgt.f32 v39, v6  }
0x7b: {  	v18 =	vld.idx.msk [tilespmem:v43+s3+$0x0], $0xffff;
	vm2 =	vgt.f32 v20, v8;
	v6 =	vsel vm1, v39, v6;
	v11 =	vsel vm1, $0x2B, v11  }
0x7c: {  	v52 =	vld.idx.msk [tilespmem:v46+s3+$0x0], $0xffff;
	v8 =	vsel vm2, v20, v8;
	v12 =	vsel vm2, $0x3B, v12;
	vm1 =	vgt.f32 v42, v7  }
0x7d: {  	v21 =	vld.idx.msk [tilespmem:v48+s3+$0x0], $0xffff;
	vm2 =	vgt.f32 v44, v5;
	v7 =	vsel vm1, v42, v7;
	v9 =	vsel vm1, $0xC, v9  }
0x7e: {  	v54 =	vld.idx.msk [tilespmem:v49+s3+$0x0], $0xffff;
	v5 =	vsel vm2, v44, v5;
	vm1 =	vgt.f32 v16, v6;
	vm3 =	vgt.f32 v47, v8  }
0x7f: {  	v56 =	vld.idx.msk [tilespmem:v22+s3+$0x0], $0xffff;
	v10 =	vsel vm2, $0x1C, v10;
	v6 =	vsel vm1, v16, v6;
	v8 =	vsel vm3, v47, v8  }
0x80: {  	v58 =	vld.idx.msk [tilespmem:v53+s3+$0x0], $0xffff;
	v11 =	vsel vm1, $0x2C, v11;
	vm1 =	vgt.f32 v18, v7;
	vm2 =	vgt.f32 v50, v5  }
0x81: {  	v17 =	vld.idx.msk [tilespmem:v51+s3+$0x0], $0xffff;
	v12 =	vsel vm3, $0x3C, v12;
	v7 =	vsel vm1, v18, v7;
	v5 =	vsel vm2, v50, v5  }
0x82: {  	v59 =	vld.idx.msk [tilespmem:v23+s3+$0x0], $0xffff;
	v9 =	vsel vm1, $0xD, v9;
	vm1 =	vgt.f32 v52, v6;
	vm3 =	vgt.f32 v21, v8  }
0x83: {  	v60 =	vld.idx.msk [tilespmem:v55+s3+$0x0], $0xffff;
	v10 =	vsel vm2, $0x1D, v10;
	v6 =	vsel vm1, v52, v6;
	v8 =	vsel vm3, v21, v8  }
0x84: {  	v11 =	vsel vm1, $0x2D, v11;
	vm1 =	vgt.f32 v54, v7;
	vm2 =	vgt.f32 v56, v5  }
0x85: {  	v61 =	vld.idx.msk [tilespmem:v57+s3+$0x0], $0xffff;
	v12 =	vsel vm3, $0x3D, v12;
	v7 =	vsel vm1, v54, v7;
	v5 =	vsel vm2, v56, v5  }
0x86: {  	v9 =	vsel vm1, $0xE, v9;
	vm1 =	vgt.f32 v17, v6;
	vm3 =	vgt.f32 v58, v8  }
0x87: {  	v4 =	vld.idx.msk [tilespmem:v4+s3+$0x0], $0xffff;
	v10 =	vsel vm2, $0x1E, v10;
	v6 =	vsel vm1, v17, v6;
	v8 =	vsel vm3, v58, v8  }
0x88: {  	v11 =	vsel vm1, $0x2E, v11;
	vm1 =	vgt.f32 v59, v7;
	vm2 =	vgt.f32 v60, v5  }
0x89: {  	v12 =	vsel vm3, $0x3E, v12;
	v7 =	vsel vm1, v59, v7;
	v5 =	vsel vm2, v60, v5  }
0x8a: {  	v9 =	vsel vm1, $0xF, v9;
	vm1 =	vgt.f32 v61, v6;
	vm3 =	vgt.f32 v5, v7  }
0x8b: {  	v10 =	vsel vm2, $0x1F, v10;
	v6 =	vsel vm1, v61, v6;
	v5 =	vsel vm3, v5, v7  }
0x8c: {  	v62 =	vsel vm1, $0x2F, v11;
	vm1 =	vgt.f32 v4, v8;
	vm2 =	vgt.f32 v6, v5  }
0x8d: {  	v9 =	vsel vm3, v10, v9;
	v4 =	vsel vm1, v4, v8;
	v5 =	vsel vm2, v6, v5  }
0x8e: {  	v63 =	vsel vm1, $0x3F, v12;
	v7 =	vsel vm2, v62, v9;
	vm1 =	vgt.f32 v4, v5  }
0x8f: {  	v4 =	vsel vm1, v63, v7  }
0x90: {  	p1 =	sne.s32 s25, $0x90  }
.Ltmp4:
0x91: {  	_ = 	snop;
	(pc) =	sbr.rel @p1 .LBB2_3-.Ltmp4, $3  }
0x92: {  	_ =	sdelay $0x1  }
0x93: {  	[spmem:s7] =	stream.indirect_vreg.scatter.add.f32 [tilespmem:s26], [sflag:$0x3], $0x80, v4, vm0, $0xb8;
	[tilespmem:$0x11080] =	vst v63  }
0x94: {  	s25 =	sadd.s32 $0x10, s25;
	s26 =	sadd.s32 $0x800, s26;
	[tilespmem:v4+s18+$0x0] =	vst.idx.add.f32.msk $0xffff, v3  }
0x95: {  	_ =	swait.ge [sflag:s19], $0x800  }
0x96: {  	[sflag:s19] =	ssyncset.done $0x0  }
0x97: {  	[sflag:s19] =	ssyncadd.s32 $0xFFFFF800  }
0x98: {  	_ =	swait.ge [sflag:s19], $0x800  }
0x99: {  	[sflag:s19] =	ssyncset.done $0x0  }
0x9a: {  	[sflag:s19] =	ssyncadd.s32 $0xFFFFF800  }
0x9b: {  	_ =	swait.ge [sflag:s19], $0x800  }
0x9c: {  	[sflag:s19] =	ssyncset.done $0x0  }
0x9d: {  	[sflag:s19] =	ssyncadd.s32 $0xFFFFF800  }
0x9e: {  	_ =	swait.ge [sflag:s19], $0x800  }
0x9f: {  	[sflag:s19] =	ssyncset.done $0x0  }
0xa0: {  	[sflag:s19] =	ssyncadd.s32 $0xFFFFF800  }
0xa1: {  	_ =	swait.ge [sflag:s19], $0x800  }
0xa2: {  	[sflag:s19] =	ssyncset.done $0x0  }
0xa3: {  	[sflag:s19] =	ssyncadd.s32 $0xFFFFF800  }
0xa4: {  	_ =	swait.ge [sflag:s19], $0x800  }
0xa5: {  	[sflag:s19] =	ssyncset.done $0x0  }
0xa6: {  	[sflag:s19] =	ssyncadd.s32 $0xFFFFF800  }
0xa7: {  	_ =	swait.ge [sflag:s19], $0x800  }
0xa8: {  	[sflag:s19] =	ssyncset.done $0x0  }
0xa9: {  	[sflag:s19] =	ssyncadd.s32 $0xFFFFF800  }
0xaa: {  	_ =	swait.ge [sflag:s19], $0x800  }
0xab: {  	[sflag:s19] =	ssyncset.done $0x0  }
0xac: {  	[sflag:s19] =	ssyncadd.s32 $0xFFFFF800  }
0xad: {  	_ =	swait.ge [sflag:s19], $0x800  }
.Ltmp5:
0xae: {  	[sflag:s19] =	ssyncset.done $0x0;
	(pc) =	sbr.rel @p0 .LBB2_8-.Ltmp5, $4  }
0xaf: {  	[sflag:s19] =	ssyncadd.s32 $0xFFFFF800  }
0xb0: {  	_ =	swait.ge [sflag:s19], $0x800  }
0xb1: {  	[sflag:s19] =	ssyncset.done $0x0  }
0xb2: {  	[sflag:s19] =	ssyncadd.s32 $0xFFFFF800  }
0xb3: {  	s24 =	smul.u32 $0xA00, s24;
	_ =	sdelay $0x1  }
0xb4: {  	s24 =	sadd.s32 s5, s24  }
0xb5: {  	[tilespmem:s3], [sflag:$0x4] =	stream.linear.gather [hbm4b:s24+s3], $0x5000, $0x38;
	[tilespmem:$0x11080] =	vst v63  }
0xb6: {  	_ =	swait.ge [sflag:s15], $0x5000  }
0xb7: {  	s23 =	sadd.s32 s10, s23;
	[sflag:s15] =	ssyncset.done $0x0  }
0xb8: {  	p0 =	sgt.u32 s23, $0x270;
	[sflag:s15] =	ssyncadd.s32 $0xFFFFB000  }
0xb9: {  	s23 =	smul.u32 @!p0 $0xA00, s23;
	_ =	swait.ge [sflag:s20], $0x5000  }
0xba: {  	s25 =	simm.s32 @!p0 $0x5000;
	[sflag:s20] =	ssyncset.done $0x0  }
0xbb: {  	s24 =	simm.s32 @!p0 $0x0;
	s23 =	sadd.s32 @!p0 s1, s23;
	[sflag:s20] =	ssyncadd.s32 $0xFFFFB000  }
0xbc: {  	[tilespmem:s25], [sflag:$0x1] =	stream.linear.gather @!p0 [hbm4b:s23+s24], $0x5000, $0x38;
	[tilespmem:$0x11080] =	vst v63  }
0xbd: {  	s23 =	simm.s32 $0x0;
	s24 =	simm.s32 $0xA000  }
.LBB2_6:
0xbe: {  	v4 =	vmov s23  }
0xbf: {  	v4 =	vshll.u32 v4, $0x7  }
0xc0: {  	v4 =	vor.u32 v1, v4  }
0xc1: {  	v5 =	vor.u32 $0x10, v4;
	v6 =	vor.u32 $0x20, v4;
	v8 =	vor.u32 $0x30, v4  }
0xc2: {  	v9 =	vor.u32 $0x1, v4;
	v10 =	vor.u32 $0x11, v4;
	v11 =	vor.u32 $0x21, v4  }
0xc3: {  	v12 =	vor.u32 $0x31, v4;
	v14 =	vor.u32 $0x2, v4;
	v15 =	vor.u32 $0x12, v4  }
0xc4: {  	v16 =	vor.u32 $0x22, v4;
	v18 =	vor.u32 $0x32, v4;
	v20 =	vor.u32 $0x3, v4  }
0xc5: {  	v59 =	vor.u32 $0x13, v4;
	v61 =	vor.u32 $0x23, v4;
	v21 =	vor.u32 $0x33, v4;
	v7 =	vld.idx.msk [tilespmem:v4+s3+$0x0], $0xffff  }
0xc6: {  	v24 =	vor.u32 $0x4, v4;
	v25 =	vor.u32 $0x14, v4;
	v26 =	vor.u32 $0x24, v4;
	v5 =	vld.idx.msk [tilespmem:v5+s3+$0x0], $0xffff  }
0xc7: {  	v29 =	vor.u32 $0x34, v4;
	v30 =	vor.u32 $0x5, v4;
	v31 =	vor.u32 $0x15, v4;
	v6 =	vld.idx.msk [tilespmem:v6+s3+$0x0], $0xffff  }
0xc8: {  	v34 =	vor.u32 $0x25, v4;
	v36 =	vor.u32 $0x35, v4;
	v37 =	vor.u32 $0x6, v4;
	v8 =	vld.idx.msk [tilespmem:v8+s3+$0x0], $0xffff  }
0xc9: {  	v39 =	vor.u32 $0x16, v4;
	v41 =	vor.u32 $0x26, v4;
	v42 =	vor.u32 $0x36, v4;
	v9 =	vld.idx.msk [tilespmem:v9+s3+$0x0], $0xffff  }
0xca: {  	v44 =	vor.u32 $0x7, v4;
	v46 =	vor.u32 $0x17, v4;
	v47 =	vor.u32 $0x27, v4;
	v60 =	vld.idx.msk [tilespmem:v16+s3+$0x0], $0xffff  }
0xcb: {  	v49 =	vor.u32 $0x37, v4;
	v51 =	vor.u32 $0x8, v4;
	v52 =	vor.u32 $0x18, v4;
	v16 =	vld.idx.msk [tilespmem:v61+s3+$0x0], $0xffff  }
0xcc: {  	v54 =	vor.u32 $0x28, v4;
	v56 =	vor.u32 $0x38, v4;
	v57 =	vor.u32 $0x9, v4;
	v33 =	vld.idx.msk [tilespmem:v26+s3+$0x0], $0xffff  }
0xcd: {  	v22 =	vor.u32 $0x1E, v4;
	v23 =	vor.u32 $0xF, v4;
	v35 =	vld.idx.msk [tilespmem:v29+s3+$0x0], $0xffff;
	v61 =	vor.u32 $0x29, v4  }
0xce: {  	v38 =	vld.idx.msk [tilespmem:v31+s3+$0x0], $0xffff;
	v26 =	vor.u32 $0x2A, v4;
	v29 =	vor.u32 $0x3A, v4;
	v31 =	vor.u32 $0x1B, v4  }
0xcf: {  	v10 =	vld.idx.msk [tilespmem:v10+s3+$0x0], $0xffff;
	vm1 =	vgt.f32 v7, $-Inf;
	vm2 =	vlt.f32 v5, $-Inf;
	vm3 =	vgt.f32 v5, $-Inf  }
0xd0: {  	v11 =	vld.idx.msk [tilespmem:v11+s3+$0x0], $0xffff;
	v7 =	vnsel vm1, $0xFF800000, v7;
	vm1 =	vmor vm3, vm2;
	vm2 =	vgt.f32 v6, $-Inf  }
0xd1: {  	v43 =	vld.idx.msk [tilespmem:v37+s3+$0x0], $0xffff;
	v5 =	vnsel vm1, $0xFF800000, v5;
	v13 =	vsel vm1, $0x10, v2;
	vm1 =	vlt.f32 v6, $-Inf  }
0xd2: {  	v55 =	vld.idx.msk [tilespmem:v49+s3+$0x0], $0xffff;
	v37 =	vor.u32 $0xC, v4;
	v49 =	vor.u32 $0xE, v4;
	vm1 =	vmor vm2, vm1  }
0xd3: {  	v12 =	vld.idx.msk [tilespmem:v12+s3+$0x0], $0xffff;
	vm3 =	vgt.f32 v8, $-Inf;
	vm2 =	vlt.f32 v8, $-Inf;
	v6 =	vnsel vm1, $0xFF800000, v6  }
0xd4: {  	v14 =	vld.idx.msk [tilespmem:v14+s3+$0x0], $0xffff;
	vm2 =	vmor vm3, vm2;
	v17 =	vsel vm1, $0x20, v2;
	vm1 =	vgt.f32 v9, v7  }
0xd5: {  	v15 =	vld.idx.msk [tilespmem:v15+s3+$0x0], $0xffff;
	v8 =	vnsel vm2, $0xFF800000, v8;
	v19 =	vsel vm2, $0x30, v2;
	v7 =	vsel vm1, v9, v7  }
0xd6: {  	v18 =	vld.idx.msk [tilespmem:v18+s3+$0x0], $0xffff;
	v58 =	vsel vm1, $0x1, v2;
	vm1 =	vgt.f32 v10, v5;
	vm2 =	vgt.f32 v11, v6  }
0xd7: {  	v63 =	vld.idx.msk [tilespmem:v20+s3+$0x0], $0xffff;
	v5 =	vsel vm1, v10, v5;
	v13 =	vsel vm1, $0x11, v13;
	v6 =	vsel vm2, v11, v6  }
0xd8: {  	v17 =	vsel vm2, $0x21, v17;
	vm1 =	vgt.f32 v12, v8;
	v10 =	vld.idx.msk [tilespmem:v59+s3+$0x0], $0xffff;
	v59 =	vor.u32 $0x19, v4  }
0xd9: {  	v28 =	vld.idx.msk [tilespmem:v21+s3+$0x0], $0xffff;
	v8 =	vsel vm1, v12, v8;
	v62 =	vsel vm1, $0x31, v19;
	vm1 =	vgt.f32 v14, v7  }
0xda: {  	vm2 =	vgt.f32 v15, v5;
	v19 =	vld.idx.msk [tilespmem:v30+s3+$0x0], $0xffff;
	v30 =	vor.u32 $0xB, v4;
	v7 =	vsel vm1, v14, v7  }
0xdb: {  	v9 =	vsel vm1, $0x2, v58;
	v5 =	vsel vm2, v15, v5;
	v13 =	vsel vm2, $0x12, v13;
	v14 =	vld.idx.msk [tilespmem:v24+s3+$0x0], $0xffff  }
0xdc: {  	vm1 =	vgt.f32 v60, v6;
	v15 =	vld.idx.msk [tilespmem:v25+s3+$0x0], $0xffff;
	v24 =	vor.u32 $0xA, v4;
	v25 =	vor.u32 $0x1A, v4  }
0xdd: {  	v6 =	vsel vm1, v60, v6;
	v27 =	vsel vm1, $0x22, v17;
	vm1 =	vgt.f32 v18, v8  }
0xde: {  	vm2 =	vgt.f32 v63, v7;
	v8 =	vsel vm1, v18, v8;
	v12 =	vsel vm1, $0x32, v62  }
0xdf: {  	v7 =	vsel vm2, v63, v7;
	v9 =	vsel vm2, $0x3, v9;
	v62 =	vor.u32 $0x39, v4  }
0xe0: {  	v63 =	vld.idx.msk [tilespmem:v57+s3+$0x0], $0xffff;
	v57 =	vor.u32 $0x2F, v4;
	vm1 =	vgt.f32 v10, v5;
	vm2 =	vgt.f32 v28, v8  }
0xe1: {  	v5 =	vsel vm1, v10, v5;
	v32 =	vsel vm1, $0x13, v13;
	vm1 =	vgt.f32 v16, v6  }
0xe2: {  	v8 =	vsel vm2, v28, v8;
	v12 =	vsel vm2, $0x33, v12;
	v6 =	vsel vm1, v16, v6  }
0xe3: {  	v11 =	vsel vm1, $0x23, v27;
	vm1 =	vgt.f32 v14, v7;
	v16 =	vld.idx.msk [tilespmem:v41+s3+$0x0], $0xffff;
	v41 =	vor.u32 $0x3C, v4  }
0xe4: {  	v7 =	vsel vm1, v14, v7;
	v9 =	vsel vm1, $0x4, v9;
	vm1 =	vgt.f32 v15, v5  }
0xe5: {  	v40 =	vld.idx.msk [tilespmem:v34+s3+$0x0], $0xffff;
	vm2 =	vgt.f32 v33, v6;
	v5 =	vsel vm1, v15, v5;
	v10 =	vsel vm1, $0x14, v32  }
0xe6: {  	v18 =	vld.idx.msk [tilespmem:v36+s3+$0x0], $0xffff;
	v6 =	vsel vm2, v33, v6;
	v11 =	vsel vm2, $0x24, v11;
	vm1 =	vgt.f32 v35, v8  }
0xe7: {  	v15 =	vld.idx.msk [tilespmem:v46+s3+$0x0], $0xffff;
	v33 =	vor.u32 $0x2B, v4;
	v46 =	vor.u32 $0x2D, v4;
	v8 =	vsel vm1, v35, v8  }
0xe8: {  	v12 =	vsel vm1, $0x34, v12;
	vm1 =	vgt.f32 v19, v7;
	vm2 =	vgt.f32 v38, v5  }
0xe9: {  	v45 =	vld.idx.msk [tilespmem:v39+s3+$0x0], $0xffff;
	v35 =	vor.u32 $0x3B, v4;
	v7 =	vsel vm1, v19, v7;
	v9 =	vsel vm1, $0x5, v9  }
0xea: {  	v48 =	vld.idx.msk [tilespmem:v42+s3+$0x0], $0xffff;
	v5 =	vsel vm2, v38, v5;
	v10 =	vsel vm2, $0x15, v10;
	vm1 =	vgt.f32 v40, v6  }
0xeb: {  	v19 =	vld.idx.msk [tilespmem:v51+s3+$0x0], $0xffff;
	v38 =	vor.u32 $0x1C, v4;
	v51 =	vor.u32 $0x2E, v4;
	v6 =	vsel vm1, v40, v6  }
0xec: {  	v11 =	vsel vm1, $0x25, v11;
	vm1 =	vgt.f32 v18, v8;
	vm2 =	vgt.f32 v43, v7  }
0xed: {  	v50 =	vld.idx.msk [tilespmem:v44+s3+$0x0], $0xffff;
	v40 =	vor.u32 $0x2C, v4;
	v8 =	vsel vm1, v18, v8;
	v12 =	vsel vm1, $0x35, v12  }
0xee: {  	v7 =	vsel vm2, v43, v7;
	v9 =	vsel vm2, $0x6, v9;
	vm1 =	vgt.f32 v45, v5  }
0xef: {  	v53 =	vld.idx.msk [tilespmem:v47+s3+$0x0], $0xffff;
	v43 =	vor.u32 $0xD, v4;
	v5 =	vsel vm1, v45, v5;
	v10 =	vsel vm1, $0x16, v10  }
0xf0: {  	vm1 =	vgt.f32 v16, v6;
	vm2 =	vgt.f32 v48, v8;
	v45 =	vor.u32 $0x1D, v4  }
0xf1: {  	v6 =	vsel vm1, v16, v6;
	v11 =	vsel vm1, $0x26, v11;
	v8 =	vsel vm2, v48, v8  }
0xf2: {  	v58 =	vld.idx.msk [tilespmem:v52+s3+$0x0], $0xffff;
	v12 =	vsel vm2, $0x36, v12;
	vm1 =	vgt.f32 v50, v7;
	v48 =	vor.u32 $0x3D, v4  }
0xf3: {  	v7 =	vsel vm1, v50, v7;
	v9 =	vsel vm1, $0x7, v9;
	vm1 =	vgt.f32 v15, v5  }
0xf4: {  	v60 =	vld.idx.msk [tilespmem:v54+s3+$0x0], $0xffff;
	vm2 =	vgt.f32 v53, v6;
	v5 =	vsel vm1, v15, v5;
	v10 =	vsel vm1, $0x17, v10  }
0xf5: {  	v34 =	vld.idx.msk [tilespmem:v29+s3+$0x0], $0xffff;
	v6 =	vsel vm2, v53, v6;
	v11 =	vsel vm2, $0x27, v11;
	vm1 =	vgt.f32 v55, v8  }
0xf6: {  	v18 =	vld.idx.msk [tilespmem:v56+s3+$0x0], $0xffff;
	vm2 =	vgt.f32 v19, v7;
	v53 =	vor.u32 $0x3E, v4;
	v8 =	vsel vm1, v55, v8  }
0xf7: {  	v28 =	vld.idx.msk [tilespmem:v24+s3+$0x0], $0xffff;
	v12 =	vsel vm1, $0x37, v12;
	v7 =	vsel vm2, v19, v7;
	vm1 =	vgt.f32 v58, v5  }
0xf8: {  	v15 =	vld.idx.msk [tilespmem:v59+s3+$0x0], $0xffff;
	v9 =	vsel vm2, $0x8, v9;
	v55 =	vor.u32 $0x1F, v4;
	v4 =	vor.u32 $0x3F, v4  }
0xf9: {  	v16 =	vld.idx.msk [tilespmem:v61+s3+$0x0], $0xffff;
	v5 =	vsel vm1, v58, v5;
	v10 =	vsel vm1, $0x18, v10;
	vm1 =	vgt.f32 v60, v6  }
0xfa: {  	v27 =	vld.idx.msk [tilespmem:v62+s3+$0x0], $0xffff;
	vm2 =	vgt.f32 v63, v7;
	v6 =	vsel vm1, v60, v6;
	v11 =	vsel vm1, $0x28, v11  }
0xfb: {  	v17 =	vld.idx.msk [tilespmem:v25+s3+$0x0], $0xffff;
	vm1 =	vgt.f32 v18, v8;
	v7 =	vsel vm2, v63, v7;
	v9 =	vsel vm2, $0x9, v9  }
0xfc: {  	v32 =	vld.idx.msk [tilespmem:v26+s3+$0x0], $0xffff;
	v8 =	vsel vm1, v18, v8;
	v12 =	vsel vm1, $0x38, v12;
	vm2 =	vgt.f32 v28, v7  }
0xfd: {  	v42 =	vld.idx.msk [tilespmem:v37+s3+$0x0], $0xffff;
	vm1 =	vgt.f32 v15, v5;
	v7 =	vsel vm2, v28, v7;
	v9 =	vsel vm2, $0xA, v9  }
0xfe: {  	v13 =	vld.idx.msk [tilespmem:v30+s3+$0x0], $0xffff;
	v5 =	vsel vm1, v15, v5;
	v10 =	vsel vm1, $0x19, v10;
	vm1 =	vgt.f32 v16, v6  }
0xff: {  	v36 =	vld.idx.msk [tilespmem:v31+s3+$0x0], $0xffff;
	v6 =	vsel vm1, v16, v6;
	v11 =	vsel vm1, $0x29, v11;
	vm1 =	vgt.f32 v27, v8  }
0x100: {  	v39 =	vld.idx.msk [tilespmem:v33+s3+$0x0], $0xffff;
	v8 =	vsel vm1, v27, v8;
	v12 =	vsel vm1, $0x39, v12;
	vm1 =	vgt.f32 v17, v5  }
0x101: {  	v20 =	vld.idx.msk [tilespmem:v35+s3+$0x0], $0xffff;
	vm2 =	vgt.f32 v32, v6;
	v5 =	vsel vm1, v17, v5;
	v10 =	vsel vm1, $0x1A, v10  }
0x102: {  	v47 =	vld.idx.msk [tilespmem:v41+s3+$0x0], $0xffff;
	v6 =	vsel vm2, v32, v6;
	v11 =	vsel vm2, $0x2A, v11;
	vm1 =	vgt.f32 v34, v8  }
0x103: {  	v44 =	vld.idx.msk [tilespmem:v38+s3+$0x0], $0xffff;
	v8 =	vsel vm1, v34, v8;
	v12 =	vsel vm1, $0x3A, v12;
	vm1 =	vgt.f32 v13, v7  }
0x104: {  	v16 =	vld.idx.msk [tilespmem:v40+s3+$0x0], $0xffff;
	vm2 =	vgt.f32 v36, v5;
	v7 =	vsel vm1, v13, v7;
	v9 =	vsel vm1, $0xB, v9  }
0x105: {  	v50 =	vld.idx.msk [tilespmem:v45+s3+$0x0], $0xffff;
	v5 =	vsel vm2, v36, v5;
	v10 =	vsel vm2, $0x1B, v10;
	vm1 =	vgt.f32 v39, v6  }
0x106: {  	v18 =	vld.idx.msk [tilespmem:v43+s3+$0x0], $0xffff;
	vm2 =	vgt.f32 v20, v8;
	v6 =	vsel vm1, v39, v6;
	v11 =	vsel vm1, $0x2B, v11  }
0x107: {  	v52 =	vld.idx.msk [tilespmem:v46+s3+$0x0], $0xffff;
	v8 =	vsel vm2, v20, v8;
	v12 =	vsel vm2, $0x3B, v12;
	vm1 =	vgt.f32 v42, v7  }
0x108: {  	v21 =	vld.idx.msk [tilespmem:v48+s3+$0x0], $0xffff;
	vm2 =	vgt.f32 v44, v5;
	v7 =	vsel vm1, v42, v7;
	v9 =	vsel vm1, $0xC, v9  }
0x109: {  	v54 =	vld.idx.msk [tilespmem:v49+s3+$0x0], $0xffff;
	v5 =	vsel vm2, v44, v5;
	vm1 =	vgt.f32 v16, v6;
	vm3 =	vgt.f32 v47, v8  }
0x10a: {  	v56 =	vld.idx.msk [tilespmem:v22+s3+$0x0], $0xffff;
	v10 =	vsel vm2, $0x1C, v10;
	v6 =	vsel vm1, v16, v6;
	v8 =	vsel vm3, v47, v8  }
0x10b: {  	v58 =	vld.idx.msk [tilespmem:v53+s3+$0x0], $0xffff;
	v11 =	vsel vm1, $0x2C, v11;
	vm1 =	vgt.f32 v18, v7;
	vm2 =	vgt.f32 v50, v5  }
0x10c: {  	v17 =	vld.idx.msk [tilespmem:v51+s3+$0x0], $0xffff;
	v12 =	vsel vm3, $0x3C, v12;
	v7 =	vsel vm1, v18, v7;
	v5 =	vsel vm2, v50, v5  }
0x10d: {  	v59 =	vld.idx.msk [tilespmem:v23+s3+$0x0], $0xffff;
	v9 =	vsel vm1, $0xD, v9;
	vm1 =	vgt.f32 v52, v6;
	vm3 =	vgt.f32 v21, v8  }
0x10e: {  	v60 =	vld.idx.msk [tilespmem:v55+s3+$0x0], $0xffff;
	v10 =	vsel vm2, $0x1D, v10;
	v6 =	vsel vm1, v52, v6;
	v8 =	vsel vm3, v21, v8  }
0x10f: {  	v11 =	vsel vm1, $0x2D, v11;
	vm1 =	vgt.f32 v54, v7;
	vm2 =	vgt.f32 v56, v5  }
0x110: {  	v61 =	vld.idx.msk [tilespmem:v57+s3+$0x0], $0xffff;
	v12 =	vsel vm3, $0x3D, v12;
	v7 =	vsel vm1, v54, v7;
	v5 =	vsel vm2, v56, v5  }
0x111: {  	v9 =	vsel vm1, $0xE, v9;
	vm1 =	vgt.f32 v17, v6;
	vm3 =	vgt.f32 v58, v8  }
0x112: {  	v4 =	vld.idx.msk [tilespmem:v4+s3+$0x0], $0xffff;
	v10 =	vsel vm2, $0x1E, v10;
	v6 =	vsel vm1, v17, v6;
	v8 =	vsel vm3, v58, v8  }
0x113: {  	v11 =	vsel vm1, $0x2E, v11;
	vm1 =	vgt.f32 v59, v7;
	vm2 =	vgt.f32 v60, v5  }
0x114: {  	v12 =	vsel vm3, $0x3E, v12;
	v7 =	vsel vm1, v59, v7;
	v5 =	vsel vm2, v60, v5  }
0x115: {  	v9 =	vsel vm1, $0xF, v9;
	vm1 =	vgt.f32 v61, v6;
	vm3 =	vgt.f32 v5, v7  }
0x116: {  	v10 =	vsel vm2, $0x1F, v10;
	v6 =	vsel vm1, v61, v6;
	v5 =	vsel vm3, v5, v7  }
0x117: {  	v62 =	vsel vm1, $0x2F, v11;
	vm1 =	vgt.f32 v4, v8;
	vm2 =	vgt.f32 v6, v5  }
0x118: {  	v9 =	vsel vm3, v10, v9;
	v4 =	vsel vm1, v4, v8;
	v5 =	vsel vm2, v6, v5  }
0x119: {  	v63 =	vsel vm1, $0x3F, v12;
	v7 =	vsel vm2, v62, v9;
	vm1 =	vgt.f32 v4, v5  }
0x11a: {  	v4 =	vsel vm1, v63, v7  }
0x11b: {  	p0 =	sne.s32 s23, $0x90  }
.Ltmp6:
0x11c: {  	_ = 	snop;
	(pc) =	sbr.rel @p0 .LBB2_6-.Ltmp6, $3  }
0x11d: {  	_ =	sdelay $0x1  }
0x11e: {  	[spmem:s7] =	stream.indirect_vreg.scatter.add.f32 [tilespmem:s24], [sflag:$0x3], $0x80, v4, vm0, $0xb8;
	[tilespmem:$0x11080] =	vst v63  }
0x11f: {  	s23 =	sadd.s32 $0x10, s23;
	s24 =	sadd.s32 $0x800, s24;
	[tilespmem:v4+s18+$0x0] =	vst.idx.add.f32.msk $0xffff, v3  }
0x120: {  	_ =	swait.ge [sflag:s19], $0x800  }
0x121: {  	[sflag:s19] =	ssyncset.done $0x0  }
0x122: {  	[sflag:s19] =	ssyncadd.s32 $0xFFFFF800  }
0x123: {  	_ =	swait.ge [sflag:s19], $0x800  }
0x124: {  	[sflag:s19] =	ssyncset.done $0x0  }
0x125: {  	[sflag:s19] =	ssyncadd.s32 $0xFFFFF800  }
0x126: {  	_ =	swait.ge [sflag:s19], $0x800  }
0x127: {  	[sflag:s19] =	ssyncset.done $0x0  }
0x128: {  	[sflag:s19] =	ssyncadd.s32 $0xFFFFF800  }
0x129: {  	_ =	swait.ge [sflag:s19], $0x800  }
0x12a: {  	[sflag:s19] =	ssyncset.done $0x0  }
0x12b: {  	[sflag:s19] =	ssyncadd.s32 $0xFFFFF800  }
0x12c: {  	_ =	swait.ge [sflag:s19], $0x800  }
0x12d: {  	[sflag:s19] =	ssyncset.done $0x0  }
0x12e: {  	[sflag:s19] =	ssyncadd.s32 $0xFFFFF800  }
0x12f: {  	_ =	swait.ge [sflag:s19], $0x800  }
0x130: {  	[sflag:s19] =	ssyncset.done $0x0  }
0x131: {  	[sflag:s19] =	ssyncadd.s32 $0xFFFFF800  }
0x132: {  	_ =	swait.ge [sflag:s19], $0x800  }
0x133: {  	[sflag:s19] =	ssyncset.done $0x0  }
0x134: {  	[sflag:s19] =	ssyncadd.s32 $0xFFFFF800  }
0x135: {  	_ =	swait.ge [sflag:s19], $0x800  }
0x136: {  	[sflag:s19] =	ssyncset.done $0x0  }
0x137: {  	[sflag:s19] =	ssyncadd.s32 $0xFFFFF800  }
0x138: {  	_ =	swait.ge [sflag:s19], $0x800  }
.Ltmp7:
0x139: {  	[sflag:s19] =	ssyncset.done $0x0;
	(pc) =	sbr.rel .LBB2_8-.Ltmp7, $4  }
0x13a: {  	[sflag:s19] =	ssyncadd.s32 $0xFFFFF800  }
0x13b: {  	_ =	swait.ge [sflag:s19], $0x800  }
0x13c: {  	[sflag:s19] =	ssyncset.done $0x0  }
0x13d: {  	[sflag:s19] =	ssyncadd.s32 $0xFFFFF800  }
.LBB2_10:
0x13e: {  	_ =	sfence.sel $0x180000  }
0x13f: {  	[bflag:$0x0] =	sbarrier.arrive $0xFFFF  }
0x140: {  	p0 =	sne.s32 s2, $0x0;
	_ =	strace $0x90000047  }
0x141: {  	s0 =	sadd.s32 @!p0 $0x100000, s0;
	[bflag:$0x2] =	sbarrier.arrive $0xFFFF  }
0x142: {  	[sflag:s0] =	ssyncadd.tile.s32 @!p0 $0x1;
	_ =	shalt  }
.Lfunc_end2:
_tile_overlayer_lowered:
.L_overlay_start_2:
0x143: {  	(tag) =	ssettag $0x2  }
0x144: {  	s0 =	rddreg [dreg:$0x0];
	s2 =	stileid.u32  }
0x145: {  	s1 =	rddreg [dreg:$0x1];
	p0 =	sne.s32 s2, $0x0  }
0x146: {  	s3 =	rddreg [dreg:$0x2];
	[bflag:$0x3] =	sbarrier.arrive $0xFFFF;
	s2 =	simm.s32 @!p0 $0x1C04  }
0x147: {  	[timem:s3], [sflag:s2] =	dma.local @!p0 [hbm:s0], s1  }
0x148: {  	s0 =	simm.s32 @!p0 $0x4  }
0x149: {  	_ =	swait.ge @!p0 [sflag:s0], s1  }
0x14a: {  	s1 =	ssub.s32 @!p0 $0x0, s1;
	[sflag:s0] =	ssyncset.done @!p0 $0x0  }
0x14b: {  	[sflag:s0] =	ssyncadd.s32 @!p0 s1  }
0x14c: {  	[bflag:$0x3] =	sbarrier.arrive $0xFFFF  }
0x14d: {  	_ =	shalt  }

</sc_bundles>
